<compile_context>
chip_gen: v7x
topology: tpu7x:2x2x1
jax: 0.10.2.dev20260603
libtpu: 0.0.44.dev20260713+nightly
codegen_flags: <defaults>
</compile_context>

<pallas_src>
import functools

import jax
import jax.numpy as jnp
from jax import lax
from jax.experimental import pallas as pl
from jax.experimental.pallas import tpu as pltpu
from jax.experimental.pallas import tpu_sc as plsc

L = 16
B, V = 64, 100000
NCHUNK = V // L
NBINS = 8192
NBIN_CH = NBINS // L
CAP = 512
CAP_CH = CAP // L
T = 64
ZBUF = 12800
NEG = -3.0e38
POS = 3.0e38
TOP_P = 0.9

_GDN = lax.GatherDimensionNumbers(
    offset_dims=(), collapsed_slice_dims=(0,), start_index_map=(0,))


def _permute(x, idx):
  return lax.gather(x, idx[:, None], _GDN, (1,),
                    mode=lax.GatherScatterMode.PROMISE_IN_BOUNDS)


def _splat(x_scalar):
  return jnp.full((L,), x_scalar)


def _sortkey(v):
  u = lax.bitcast_convert_type(v, jnp.uint32)
  s = lax.bitcast_convert_type(v, jnp.int32) >> 31
  flip = lax.bitcast_convert_type(s, jnp.uint32) | jnp.uint32(0x80000000)
  return u ^ flip


def _body(logits_hbm, kvec_hbm, out_hbm, in_v, hist_v, cand_v, zero_v, kv_v):
  wid = lax.axis_index("s") * 2 + lax.axis_index("c")
  iota = lax.iota(jnp.int32, L)
  pltpu.sync_copy(kvec_hbm, kv_v)
  kk = kv_v[...]

  def zinit(i, _):
    zero_v[pl.ds(i * L, L)] = jnp.zeros((L,), jnp.float32)
    return 0
  lax.fori_loop(0, ZBUF // L, zinit, 0)

  def do_row(r, _):
    row = wid * 2 + r
    pltpu.sync_copy(logits_hbm.at[pl.ds(row * V, V)], in_v)

    def hinit(i, _):
      hist_v[pl.ds(i * L, L)] = jnp.zeros((L,), jnp.int32)
      return 0
    lax.fori_loop(0, NBIN_CH, hinit, 0)

    def cinit(i, _):
      cand_v[pl.ds(i * L, L)] = jnp.full((L,), NEG, jnp.float32)
      return 0
    lax.fori_loop(0, CAP_CH, cinit, 0)

    ones = jnp.ones((L,), jnp.int32)
    def hist_body(i, _):
      v = in_v[pl.ds(i * L, L)]
      bkt = (_sortkey(v) >> jnp.uint32(19)).astype(jnp.int32)
      plsc.addupdate_scatter(hist_v, [bkt], ones)
      return 0
    lax.fori_loop(0, NCHUNK, hist_body, 0)

    def bscan(j, carry):
      acc, bstar, found = carry
      c = NBIN_CH - 1 - j
      h = hist_v[pl.ds(c * L, L)]
      tot = jnp.sum(h)
      incl = plsc.cumsum(h)
      ssum = (tot - incl) + h
      qual = (acc + ssum) >= kk
      nq = jnp.sum(qual.astype(jnp.int32))
      found_here = jnp.logical_and(jnp.logical_not(found), nq > 0)
      bstar = jnp.where(found_here, c * L + nq - 1, bstar)
      found = jnp.logical_or(found, nq > 0)
      return acc + tot, bstar, found
    _, bstar, _ = lax.fori_loop(
        0, NBIN_CH, bscan,
        (jnp.int32(0), jnp.int32(0), jnp.bool_(False)))
    bstar_v = _splat(bstar)

    def coll_body(i, cnt):
      v = in_v[pl.ds(i * L, L)]
      bkt = (_sortkey(v) >> jnp.uint32(19)).astype(jnp.int32)
      m = bkt >= bstar_v
      m = jnp.logical_and(m, cnt < (CAP - L))
      mi = m.astype(jnp.int32)
      pos = cnt + plsc.cumsum(mi) - 1
      plsc.store_scatter(cand_v, [pos], v, mask=m)
      return cnt + _splat(jnp.sum(mi))
    cnt = lax.fori_loop(0, NCHUNK, coll_body, jnp.zeros((L,), jnp.int32))
    n_ch = (jnp.max(cnt) + (L - 1)) // L

    def sel_round(rr, svecs):
      def mx_body(c, mx):
        return jnp.maximum(mx, cand_v[pl.ds(c * L, L)])
      mx = lax.fori_loop(0, n_ch, mx_body, jnp.full((L,), NEG, jnp.float32))
      g = jnp.max(mx)
      g_v = _splat(g)

      def rm_body(c, removed):
        ch = cand_v[pl.ds(c * L, L)]
        eq = ch == g_v
        any_eq = jnp.any(eq)
        ffs = plsc.all_reduce_ffs(eq)
        do = jnp.logical_and(any_eq, jnp.logical_not(removed))
        hit = jnp.logical_and(iota == ffs, _splat(do))
        cand_v[pl.ds(c * L, L)] = jnp.where(hit, _splat(NEG), ch)
        return jnp.logical_or(removed, any_eq)
      lax.fori_loop(0, n_ch, rm_body, jnp.bool_(False))

      out = []
      for c4 in range(T // L):
        sel = jnp.logical_and(_splat((rr >> 4) == c4), iota == (rr & (L - 1)))
        out.append(jnp.where(sel, g_v, svecs[c4]))
      return tuple(out)
    s = lax.fori_loop(0, T, sel_round,
                      tuple(jnp.full((L,), NEG, jnp.float32)
                            for _ in range(T // L)))

    shift_idx = (iota + (L - 1)) & (L - 1)
    lane0 = iota == 0
    kept0 = []
    carry_val = POS
    carry_f = jnp.int32(-1)
    for c4 in range(T // L):
      sc = s[c4]
      shifted = jnp.where(lane0, _splat(carry_val), _permute(sc, shift_idx))
      newseg = sc != shifted
      a = jnp.where(newseg, iota + c4 * L, -1)
      f = jnp.maximum(plsc.cummax(a), _splat(carry_f))
      kept0.append(f < kk)
      carry_val = jnp.sum(jnp.where(iota == L - 1, sc, 0.0))
      carry_f = jnp.max(f)

    mx0 = jnp.sum(jnp.where(lane0, s[0], 0.0))
    e = [jnp.where(kept0[c], jnp.exp(jnp.where(kept0[c], s[c], mx0) - mx0),
                   0.0) for c in range(T // L)]
    den1 = jnp.float32(0.0)
    for c in range(T // L):
      den1 = den1 + jnp.sum(e[c])
    p = [e[c] / den1 for c in range(T // L)]

    cums, carry = [], jnp.float32(0.0)
    for c in range(T // L):
      cc = plsc.cumsum(p[c]) + carry
      cums.append(cc)
      carry = carry + jnp.sum(p[c])

    kept2, cprev = [], jnp.float32(0.0)
    for c in range(T // L):
      prevcum = jnp.where(lane0, _splat(cprev), _permute(cums[c], shift_idx))
      kept2.append(jnp.logical_and(kept0[c],
                                   prevcum <= jnp.float32(1.0 - TOP_P)))
      cprev = jnp.sum(jnp.where(iota == L - 1, cums[c], 0.0))

    den2 = jnp.float32(0.0)
    for c in range(T // L):
      den2 = den2 + jnp.sum(jnp.where(kept2[c], p[c], 0.0))
    for c in range(T // L):
      zero_v[pl.ds(c * L, L)] = jnp.where(kept2[c], p[c] / den2, 0.0)

    rbase = row * V
    pltpu.sync_copy(zero_v, out_hbm.at[pl.ds(rbase, ZBUF)])
    for c in range(T // L):
      zero_v[pl.ds(c * L, L)] = jnp.zeros((L,), jnp.float32)
    for t in range(1, V // ZBUF + 1):
      n = min(ZBUF, V - t * ZBUF)
      pltpu.sync_copy(zero_v.at[pl.ds(0, n)],
                      out_hbm.at[pl.ds(rbase + t * ZBUF, n)])
    return 0

  lax.fori_loop(0, B // 32, do_row, 0)


@jax.jit
def _sc_call(logits, kvec):
  f = pl.kernel(
      _body,
      out_type=jax.ShapeDtypeStruct((B * V,), jnp.float32),
      mesh=plsc.VectorSubcoreMesh(core_axis_name="c", subcore_axis_name="s"),
      compiler_params=pltpu.CompilerParams(needs_layout_passes=False),
      scratch_types=[
          pltpu.VMEM((V,), jnp.float32),
          pltpu.VMEM((NBINS,), jnp.int32),
          pltpu.VMEM((CAP,), jnp.float32),
          pltpu.VMEM((ZBUF,), jnp.float32),
          pltpu.VMEM((L,), jnp.int32),
      ],
  )
  return f(logits.reshape(B * V), kvec).reshape(B, V)


def kernel(logits, k):
  kvec = jnp.full((L,), k, dtype=jnp.int32)
  return _sc_call(logits, kvec)

# --- scband reference (transcript-rebuilt; emitter-appended) ---
"""Pipeline reference for scband-autoregressive-wrapper-1486058685072 (READ-ONLY COPY).

The authoritative reference and input builder live on the scoring server;
editing this copy changes nothing except your own understanding.
"""

import jax, jax.numpy as jnp
import numpy as np

TOP_P = 0.9
TEMPERATURE = 1.0


def top_k_fn(logits, k=0):
    # TF: tf.clip_by_value(k, 1, vocab); top_k; mask logits below the k-th value
    kk = jnp.clip(jnp.asarray(k, dtype=jnp.int32), 1, logits.shape[-1])
    sorted_desc = jnp.sort(logits, axis=-1)[..., ::-1]
    thresh = jnp.take(sorted_desc, kk - 1, axis=-1, mode='clip')[..., None]
    indices_to_remove = logits < thresh
    neg_inf = jnp.full(logits.shape, float('-inf'), dtype=jnp.float32)
    return jnp.where(indices_to_remove, neg_inf, logits.astype(jnp.float32))


def top_p_fn(logits, p=0.9):
    # TF: sort descending, cumsum of softmax, remove where cum_probs > 1 - p,
    # roll by 1 and force-keep the first (highest) token. Returns SORTED filtered logits,
    # faithful to the original module.
    sorted_logits = jnp.sort(logits, axis=-1)[:, ::-1].astype(jnp.float32)
    cum_probs = jnp.cumsum(jax.nn.softmax(sorted_logits, axis=-1), axis=-1)
    sorted_indices_to_remove = cum_probs > (1.0 - p)
    sorted_indices_to_remove = jnp.roll(sorted_indices_to_remove, 1, axis=-1)
    sorted_indices_to_remove = jnp.concatenate(
        [jnp.zeros_like(sorted_indices_to_remove[:, :1]), sorted_indices_to_remove[:, 1:]], axis=-1)
    neg_inf = jnp.full(sorted_logits.shape, float('-inf'), dtype=jnp.float32)
    return jnp.where(sorted_indices_to_remove, neg_inf, sorted_logits)


def setup_inputs(seed: int = 0) -> dict:
    key = jax.random.key(seed)
    logits = jax.random.normal(key, (64, 100000), dtype=jnp.float32) * 3.0
    return {"logits": logits, "k": 50}


def reference(logits, k):
    # one decode step of AutoregressiveWrapper.generate: filter logits with top-k
    # then top-p, then temperature softmax to get the categorical sampling distribution
    filt = top_k_fn(logits, k)
    filt = top_p_fn(filt, TOP_P)
    probs = jax.nn.softmax(filt / TEMPERATURE, axis=-1)
    return probs

if __name__ == "__main__":
    import jax
    _d = setup_inputs()
    print(jax.jit(kernel)(*tuple(_d.values())))

</pallas_src>

<mosaic_0001>
#map = affine_map<(d0, d1) -> (0)>
module attributes {stable_mosaic.version = 14 : i64} {
  func.func @_body(%arg0: i32, %arg1: i32, %arg2: memref<6400000xf32, #tpu.memory_space<hbm>>, %arg3: memref<16xi32, #tpu.memory_space<hbm>>, %arg4: memref<6400000xf32, #tpu.memory_space<hbm>>, %arg5: memref<100000xf32, #tpu.memory_space<vmem>>, %arg6: memref<8192xi32, #tpu.memory_space<vmem>>, %arg7: memref<512xf32, #tpu.memory_space<vmem>>, %arg8: memref<12800xf32, #tpu.memory_space<vmem>>, %arg9: memref<16xi32, #tpu.memory_space<vmem>>) attributes {dimension_semantics = [#tpu.dimension_semantics<core_parallel>, #tpu.dimension_semantics<subcore_parallel>], iteration_bounds = array<i64: 2, 16>, scalar_prefetch = 0 : i64, scratch_operands = 5 : i64, tpu.core_type = #tpu.core_type<sc_vector_subcore>, window_params = [{transform_indices = #map}, {transform_indices = #map}, {transform_indices = #map}]} {
    %mul3A = arith.constant 2 : i32
    %mul3A_0 = arith.muli %arg1, %mul3A : i32
    %add3A = arith.addi %mul3A_0, %arg0 : i32
    %iota3A = tpu.iota {dimensions = array<i32: 0>} : vector<16xi32>
    "tpu.region"() ({
      %run_scoped3A = tpu.sem_alloc : memref<!tpu.dma_semaphore, #tpu.memory_space<semaphore_mem>>
      tpu.enqueue_dma source(%arg3 : memref<16xi32, #tpu.memory_space<hbm>>) target(%arg9 : memref<16xi32, #tpu.memory_space<vmem>>) target_semaphore(%run_scoped3A : memref<!tpu.dma_semaphore, #tpu.memory_space<semaphore_mem>>)
      tpu.wait_dma2 semaphore(%run_scoped3A : memref<!tpu.dma_semaphore, #tpu.memory_space<semaphore_mem>>) src(%arg3 : memref<16xi32, #tpu.memory_space<hbm>>) dst(%arg9 : memref<16xi32, #tpu.memory_space<vmem>>)
      tpu.yield
    }) : () -> ()
    %get3A = arith.constant 0 : index
    %get3A_1 = tpu.vector_load %arg9[%get3A] {strides = array<i32>} : memref<16xi32, #tpu.memory_space<vmem>>, vector<16xi32>,
    %scan3A = arith.constant 0 : i32
    %scan3A_2 = arith.constant 0 : i32
    %scan3A_3 = arith.constant 800 : i32
    %scan3A_4 = arith.addi %scan3A_2, %scan3A_3 : i32
    %scan3A_5 = arith.constant 1 : i32
    %scan3A_6 = scf.for %scan3A_15 = %scan3A_2 to %scan3A_4 step %scan3A_5 iter_args(%scan3A_16 = %scan3A) -> (i32)  : i32 {
      %broadcast_in_dim3A = arith.constant 0.000000e+00 : f32
      %broadcast_in_dim3A_17 = vector.broadcast %broadcast_in_dim3A : f32 to vector<16xf32>
      %mul3A_18 = arith.constant 16 : i32
      %mul3A_19 = arith.muli %scan3A_15, %mul3A_18 : i32
      %swap3A = arith.index_cast %mul3A_19 : i32 to index
      %swap3A_20 = tpu.vector_load %arg8[%swap3A] {strides = array<i32>} : memref<12800xf32, #tpu.memory_space<vmem>>, vector<16xf32>,
      tpu.vector_store %arg8[%swap3A], %broadcast_in_dim3A_17 {strides = array<i32>} : memref<12800xf32, #tpu.memory_space<vmem>>, vector<16xf32>,
      %scan3A_21 = arith.constant 0 : i32
      scf.yield %scan3A_21 : i32
    }
    %scan3A_7 = arith.constant 800 : i32
    %scan3A_8 = arith.constant 0 : i32
    %scan3A_9 = arith.constant 0 : i32
    %scan3A_10 = arith.constant 2 : i32
    %scan3A_11 = arith.addi %scan3A_9, %scan3A_10 : i32
    %scan3A_12 = arith.constant 1 : i32
    %scan3A_13 = scf.for %scan3A_15 = %scan3A_9 to %scan3A_11 step %scan3A_12 iter_args(%scan3A_16 = %scan3A_8) -> (i32)  : i32 {
      %mul3A_17 = arith.constant 2 : i32
      %mul3A_18 = arith.muli %add3A, %mul3A_17 : i32
      %add3A_19 = arith.addi %mul3A_18, %scan3A_15 : i32
      %mul3A_20 = arith.constant 100000 : i32
      %mul3A_21 = arith.muli %add3A_19, %mul3A_20 : i32
      "tpu.region"() ({
        %run_scoped3A = tpu.sem_alloc : memref<!tpu.dma_semaphore, #tpu.memory_space<semaphore_mem>>
        %dma_start3A = tpu.memref_slice %arg2[%mul3A_21] : memref<6400000xf32, #tpu.memory_space<hbm>> -> memref<100000xf32, #tpu.memory_space<hbm>>
        %dma_start3A_543 = tpu.memref_slice %arg2[%mul3A_21] : memref<6400000xf32, #tpu.memory_space<hbm>> -> memref<100000xf32, #tpu.memory_space<hbm>>
        tpu.enqueue_dma source(%dma_start3A_543 : memref<100000xf32, #tpu.memory_space<hbm>>) target(%arg5 : memref<100000xf32, #tpu.memory_space<vmem>>) target_semaphore(%run_scoped3A : memref<!tpu.dma_semaphore, #tpu.memory_space<semaphore_mem>>)
        %dma_wait3A = tpu.memref_slice %arg2[%mul3A_21] : memref<6400000xf32, #tpu.memory_space<hbm>> -> memref<100000xf32, #tpu.memory_space<hbm>>
        %dma_wait3A_544 = tpu.memref_slice %arg2[%mul3A_21] : memref<6400000xf32, #tpu.memory_space<hbm>> -> memref<100000xf32, #tpu.memory_space<hbm>>
        tpu.wait_dma2 semaphore(%run_scoped3A : memref<!tpu.dma_semaphore, #tpu.memory_space<semaphore_mem>>) src(%dma_wait3A_544 : memref<100000xf32, #tpu.memory_space<hbm>>) dst(%arg5 : memref<100000xf32, #tpu.memory_space<vmem>>)
        tpu.yield
      }) : () -> ()
      %scan3A_22 = arith.constant 0 : i32
      %scan3A_23 = arith.constant 0 : i32
      %scan3A_24 = arith.constant 512 : i32
      %scan3A_25 = arith.addi %scan3A_23, %scan3A_24 : i32
      %scan3A_26 = arith.constant 1 : i32
      %scan3A_27 = scf.for %scan3A_543 = %scan3A_23 to %scan3A_25 step %scan3A_26 iter_args(%scan3A_544 = %scan3A_22) -> (i32)  : i32 {
        %broadcast_in_dim3A_545 = arith.constant 0 : i32
        %broadcast_in_dim3A_546 = vector.broadcast %broadcast_in_dim3A_545 : i32 to vector<16xi32>
        %mul3A_547 = arith.constant 16 : i32
        %mul3A_548 = arith.muli %scan3A_543, %mul3A_547 : i32
        %swap3A_549 = arith.index_cast %mul3A_548 : i32 to index
        %swap3A_550 = tpu.vector_load %arg6[%swap3A_549] {strides = array<i32>} : memref<8192xi32, #tpu.memory_space<vmem>>, vector<16xi32>,
        tpu.vector_store %arg6[%swap3A_549], %broadcast_in_dim3A_546 {strides = array<i32>} : memref<8192xi32, #tpu.memory_space<vmem>>, vector<16xi32>,
        %scan3A_551 = arith.constant 0 : i32
        scf.yield %scan3A_551 : i32
      }
      %scan3A_28 = arith.constant 512 : i32
      %scan3A_29 = arith.constant 0 : i32
      %scan3A_30 = arith.constant 0 : i32
      %scan3A_31 = arith.constant 32 : i32
      %scan3A_32 = arith.addi %scan3A_30, %scan3A_31 : i32
      %scan3A_33 = arith.constant 1 : i32
      %scan3A_34 = scf.for %scan3A_543 = %scan3A_30 to %scan3A_32 step %scan3A_33 iter_args(%scan3A_544 = %scan3A_29) -> (i32)  : i32 {
        %broadcast_in_dim3A_545 = arith.constant -3.000000e+38 : f32
        %broadcast_in_dim3A_546 = vector.broadcast %broadcast_in_dim3A_545 : f32 to vector<16xf32>
        %mul3A_547 = arith.constant 16 : i32
        %mul3A_548 = arith.muli %scan3A_543, %mul3A_547 : i32
        %swap3A_549 = arith.index_cast %mul3A_548 : i32 to index
        %swap3A_550 = tpu.vector_load %arg7[%swap3A_549] {strides = array<i32>} : memref<512xf32, #tpu.memory_space<vmem>>, vector<16xf32>,
        tpu.vector_store %arg7[%swap3A_549], %broadcast_in_dim3A_546 {strides = array<i32>} : memref<512xf32, #tpu.memory_space<vmem>>, vector<16xf32>,
        %scan3A_551 = arith.constant 0 : i32
        scf.yield %scan3A_551 : i32
      }
      %scan3A_35 = arith.constant 32 : i32
      %broadcast_in_dim3A = arith.constant 1 : i32
      %broadcast_in_dim3A_36 = vector.broadcast %broadcast_in_dim3A : i32 to vector<16xi32>
      %scan3A_37 = arith.constant 0 : i32
      %scan3A_38 = arith.constant 0 : i32
      %scan3A_39 = arith.constant 6250 : i32
      %scan3A_40 = arith.addi %scan3A_38, %scan3A_39 : i32
      %scan3A_41 = arith.constant 1 : i32
      %scan3A_42 = scf.for %scan3A_543 = %scan3A_38 to %scan3A_40 step %scan3A_41 iter_args(%scan3A_544 = %scan3A_37) -> (i32)  : i32 {
        %mul3A_545 = arith.constant 16 : i32
        %mul3A_546 = arith.muli %scan3A_543, %mul3A_545 : i32
        %get3A_547 = arith.index_cast %mul3A_546 : i32 to index
        %get3A_548 = tpu.vector_load %arg5[%get3A_547] {strides = array<i32>} : memref<100000xf32, #tpu.memory_space<vmem>>, vector<16xf32>,
        %bitcast_convert_type3A = tpu.bitcast %get3A_548 : vector<16xf32> -> vector<16xi32>
        %bitcast_convert_type3A_549 = tpu.bitcast %get3A_548 : vector<16xf32> -> vector<16xi32>
        %shift_right_arithmetic3A = arith.constant 31 : i32
        %shift_right_arithmetic3A_550 = vector.broadcast %shift_right_arithmetic3A : i32 to vector<16xi32>
        %shift_right_arithmetic3A_551 = arith.shrsi %bitcast_convert_type3A_549, %shift_right_arithmetic3A_550 : vector<16xi32>
        %bitcast_convert_type3A_552 = tpu.bitcast %shift_right_arithmetic3A_551 : vector<16xi32> -> vector<16xi32>
        %or3A = arith.constant -2147483648 : i32
        %or3A_553 = vector.broadcast %or3A : i32 to vector<16xi32>
        %or3A_554 = arith.ori %bitcast_convert_type3A_552, %or3A_553 : vector<16xi32>
        %xor3A = arith.xori %bitcast_convert_type3A, %or3A_554 : vector<16xi32>
        %shift_right_logical3A = arith.constant 19 : i32
        %shift_right_logical3A_555 = vector.broadcast %shift_right_logical3A : i32 to vector<16xi32>
        %shift_right_logical3A_556 = arith.shrui %xor3A, %shift_right_logical3A_555 : vector<16xi32>
        tpu.vector_store_idx %arg6[%shift_right_logical3A_556], %broadcast_in_dim3A_36 {add = true} : memref<8192xi32, #tpu.memory_space<vmem>>[vector<16xi32>], vector<16xi32>,
        %scan3A_557 = arith.constant 0 : i32
        scf.yield %scan3A_557 : i32
      }
      %scan3A_43 = arith.constant 6250 : i32
      %scan3A_44 = arith.constant 0 : i32
      %scan3A_45 = arith.constant 0 : i32
      %scan3A_46 = arith.constant false
      %scan3A_47 = arith.constant 0 : i32
      %scan3A_48 = arith.constant 512 : i32
      %scan3A_49 = arith.addi %scan3A_47, %scan3A_48 : i32
      %scan3A_50 = arith.constant 1 : i32
      %scan3A_51:3 = scf.for %scan3A_543 = %scan3A_47 to %scan3A_49 step %scan3A_50 iter_args(%scan3A_544 = %scan3A_44, %scan3A_545 = %scan3A_45, %scan3A_546 = %scan3A_46) -> (i32, i32, i1)  : i32 {
        %sub3A_547 = arith.constant 511 : i32
        %sub3A_548 = arith.subi %sub3A_547, %scan3A_543 : i32
        %mul3A_549 = arith.constant 16 : i32
        %mul3A_550 = arith.muli %sub3A_548, %mul3A_549 : i32
        %get3A_551 = arith.index_cast %mul3A_550 : i32 to index
        %get3A_552 = tpu.vector_load %arg6[%get3A_551] {strides = array<i32>} : memref<8192xi32, #tpu.memory_space<vmem>>, vector<16xi32>,
        %reduce_sum3A_553 = arith.constant true
        %reduce_sum3A_554 = vector.broadcast %reduce_sum3A_553 : i1 to vector<16xi1>
        %reduce_sum3A_555 = tpu.scan <sum>, %get3A_552 masked %reduce_sum3A_554 : vector<16xi32>, vector<16xi1> -> vector<16xi32>
        %reduce_sum3A_556 = vector.extract %reduce_sum3A_555[15] : i32 from vector<16xi32>
        %broadcast_in_dim3A_557 = arith.constant true
        %broadcast_in_dim3A_558 = vector.broadcast %broadcast_in_dim3A_557 : i1 to vector<16xi1>
        %masked_cumsum3A_559 = tpu.scan <sum>, %get3A_552 masked %broadcast_in_dim3A_558 : vector<16xi32>, vector<16xi1> -> vector<16xi32>
        %sub3A_560 = vector.broadcast %reduce_sum3A_556 : i32 to vector<16xi32>
        %sub3A_561 = arith.subi %sub3A_560, %masked_cumsum3A_559 : vector<16xi32>
        %add3A_562 = arith.addi %sub3A_561, %get3A_552 : vector<16xi32>
        %add3A_563 = vector.broadcast %scan3A_544 : i32 to vector<16xi32>
        %add3A_564 = arith.addi %add3A_563, %add3A_562 : vector<16xi32>
        %ge3A = arith.cmpi sge, %add3A_564, %get3A_1 : vector<16xi32>
        %convert_element_type3A = arith.extui %ge3A : vector<16xi1> to vector<16xi32>
        %reduce_sum3A_565 = arith.constant true
        %reduce_sum3A_566 = vector.broadcast %reduce_sum3A_565 : i1 to vector<16xi1>
        %reduce_sum3A_567 = tpu.scan <sum>, %convert_element_type3A masked %reduce_sum3A_566 : vector<16xi32>, vector<16xi1> -> vector<16xi32>
        %reduce_sum3A_568 = vector.extract %reduce_sum3A_567[15] : i32 from vector<16xi32>
        %not3A = arith.constant true
        %not3A_569 = arith.xori %scan3A_546, %not3A : i1
        %gt3A = arith.constant 0 : i32
        %gt3A_570 = arith.cmpi sgt, %reduce_sum3A_568, %gt3A : i32
        %and3A_571 = arith.andi %not3A_569, %gt3A_570 : i1
        %mul3A_572 = arith.constant 16 : i32
        %mul3A_573 = arith.muli %sub3A_548, %mul3A_572 : i32
        %add3A_574 = arith.addi %mul3A_573, %reduce_sum3A_568 : i32
        %sub3A_575 = arith.constant 1 : i32
        %sub3A_576 = arith.subi %add3A_574, %sub3A_575 : i32
        %select_n3A_577 = arith.select %and3A_571, %sub3A_576, %scan3A_545 : i32
        %gt3A_578 = arith.constant 0 : i32
        %gt3A_579 = arith.cmpi sgt, %reduce_sum3A_568, %gt3A_578 : i32
        %or3A = arith.ori %scan3A_546, %gt3A_579 : i1
        %add3A_580 = arith.addi %scan3A_544, %reduce_sum3A_556 : i32
        scf.yield %add3A_580, %select_n3A_577, %or3A : i32, i32, i1
      }
      %scan3A_52 = arith.constant 512 : i32
      %broadcast_in_dim3A_53 = vector.broadcast %scan3A_51#1 : i32 to vector<16xi32>
      %broadcast_in_dim3A_54 = arith.constant 0 : i32
      %broadcast_in_dim3A_55 = vector.broadcast %broadcast_in_dim3A_54 : i32 to vector<16xi32>
      %scan3A_56 = arith.constant 0 : i32
      %scan3A_57 = arith.constant 6250 : i32
      %scan3A_58 = arith.addi %scan3A_56, %scan3A_57 : i32
      %scan3A_59 = arith.constant 1 : i32
      %scan3A_60 = scf.for %scan3A_543 = %scan3A_56 to %scan3A_58 step %scan3A_59 iter_args(%scan3A_544 = %broadcast_in_dim3A_55) -> (vector<16xi32>)  : i32 {
        %mul3A_545 = arith.constant 16 : i32
        %mul3A_546 = arith.muli %scan3A_543, %mul3A_545 : i32
        %get3A_547 = arith.index_cast %mul3A_546 : i32 to index
        %get3A_548 = tpu.vector_load %arg5[%get3A_547] {strides = array<i32>} : memref<100000xf32, #tpu.memory_space<vmem>>, vector<16xf32>,
        %bitcast_convert_type3A = tpu.bitcast %get3A_548 : vector<16xf32> -> vector<16xi32>
        %bitcast_convert_type3A_549 = tpu.bitcast %get3A_548 : vector<16xf32> -> vector<16xi32>
        %shift_right_arithmetic3A = arith.constant 31 : i32
        %shift_right_arithmetic3A_550 = vector.broadcast %shift_right_arithmetic3A : i32 to vector<16xi32>
        %shift_right_arithmetic3A_551 = arith.shrsi %bitcast_convert_type3A_549, %shift_right_arithmetic3A_550 : vector<16xi32>
        %bitcast_convert_type3A_552 = tpu.bitcast %shift_right_arithmetic3A_551 : vector<16xi32> -> vector<16xi32>
        %or3A = arith.constant -2147483648 : i32
        %or3A_553 = vector.broadcast %or3A : i32 to vector<16xi32>
        %or3A_554 = arith.ori %bitcast_convert_type3A_552, %or3A_553 : vector<16xi32>
        %xor3A = arith.xori %bitcast_convert_type3A, %or3A_554 : vector<16xi32>
        %shift_right_logical3A = arith.constant 19 : i32
        %shift_right_logical3A_555 = vector.broadcast %shift_right_logical3A : i32 to vector<16xi32>
        %shift_right_logical3A_556 = arith.shrui %xor3A, %shift_right_logical3A_555 : vector<16xi32>
        %ge3A = arith.cmpi sge, %shift_right_logical3A_556, %broadcast_in_dim3A_53 : vector<16xi32>
        %lt3A_557 = arith.constant 496 : i32
        %lt3A_558 = vector.broadcast %lt3A_557 : i32 to vector<16xi32>
        %lt3A_559 = arith.cmpi slt, %scan3A_544, %lt3A_558 : vector<16xi32>
        %and3A_560 = arith.andi %ge3A, %lt3A_559 : vector<16xi1>
        %convert_element_type3A = arith.extui %and3A_560 : vector<16xi1> to vector<16xi32>
        %broadcast_in_dim3A_561 = arith.constant true
        %broadcast_in_dim3A_562 = vector.broadcast %broadcast_in_dim3A_561 : i1 to vector<16xi1>
        %masked_cumsum3A_563 = tpu.scan <sum>, %convert_element_type3A masked %broadcast_in_dim3A_562 : vector<16xi32>, vector<16xi1> -> vector<16xi32>
        %add3A_564 = arith.addi %scan3A_544, %masked_cumsum3A_563 : vector<16xi32>
        %sub3A_565 = arith.constant 1 : i32
        %sub3A_566 = vector.broadcast %sub3A_565 : i32 to vector<16xi32>
        %sub3A_567 = arith.subi %add3A_564, %sub3A_566 : vector<16xi32>
        tpu.vector_store_idx %arg7[%sub3A_567], %get3A_548 masked %and3A_560 : memref<512xf32, #tpu.memory_space<vmem>>[vector<16xi32>], vector<16xf32>, vector<16xi1>
        %reduce_sum3A_568 = arith.constant true
        %reduce_sum3A_569 = vector.broadcast %reduce_sum3A_568 : i1 to vector<16xi1>
        %reduce_sum3A_570 = tpu.scan <sum>, %convert_element_type3A masked %reduce_sum3A_569 : vector<16xi32>, vector<16xi1> -> vector<16xi32>
        %reduce_sum3A_571 = vector.extract %reduce_sum3A_570[15] : i32 from vector<16xi32>
        %broadcast_in_dim3A_572 = vector.broadcast %reduce_sum3A_571 : i32 to vector<16xi32>
        %add3A_573 = arith.addi %scan3A_544, %broadcast_in_dim3A_572 : vector<16xi32>
        scf.yield %add3A_573 : vector<16xi32>
      }
      %scan3A_61 = arith.constant 6250 : i32
      %reduce_max3A = arith.constant true
      %reduce_max3A_62 = vector.broadcast %reduce_max3A : i1 to vector<16xi1>
      %reduce_max3A_63 = arith.constant -2147483648 : i32
      %reduce_max3A_64 = vector.broadcast %reduce_max3A_63 : i32 to vector<16xi32>
      %reduce_max3A_65 = arith.xori %scan3A_60, %reduce_max3A_64 : vector<16xi32>
      %reduce_max3A_66 = tpu.scan <max>, %reduce_max3A_65 masked %reduce_max3A_62 : vector<16xi32>, vector<16xi1> -> vector<16xi32>
      %reduce_max3A_67 = arith.xori %reduce_max3A_66, %reduce_max3A_64 : vector<16xi32>
      %reduce_max3A_68 = vector.extract %reduce_max3A_67[15] : i32 from vector<16xi32>
      %add3A_69 = arith.constant 15 : i32
      %add3A_70 = arith.addi %reduce_max3A_68, %add3A_69 : i32
      %jit3A = arith.constant 16 : i32
      %div3A = arith.divsi %add3A_70, %jit3A : i32
      %sign3A = arith.constant 0 : i32
      %sign3A_71 = arith.cmpi sgt, %add3A_70, %sign3A : i32
      %sign3A_72 = arith.extui %sign3A_71 : i1 to i32
      %sign3A_73 = arith.constant 0 : i32
      %sign3A_74 = arith.cmpi slt, %add3A_70, %sign3A_73 : i32
      %sign3A_75 = arith.extui %sign3A_74 : i1 to i32
      %sign3A_76 = arith.subi %sign3A_72, %sign3A_75 : i32
      %sign3A_77 = arith.constant 0 : i32
      %sign3A_78 = arith.cmpi sgt, %jit3A, %sign3A_77 : i32
      %sign3A_79 = arith.extui %sign3A_78 : i1 to i32
      %sign3A_80 = arith.constant 0 : i32
      %sign3A_81 = arith.cmpi slt, %jit3A, %sign3A_80 : i32
      %sign3A_82 = arith.extui %sign3A_81 : i1 to i32
      %sign3A_83 = arith.subi %sign3A_79, %sign3A_82 : i32
      %ne3A = arith.cmpi ne, %sign3A_76, %sign3A_83 : i32
      %rem3A = arith.remsi %add3A_70, %jit3A : i32
      %ne3A_84 = arith.constant 0 : i32
      %ne3A_85 = arith.cmpi ne, %rem3A, %ne3A_84 : i32
      %and3A = arith.andi %ne3A, %ne3A_85 : i1
      %sub3A = arith.constant 1 : i32
      %sub3A_86 = arith.subi %div3A, %sub3A : i32
      %select_n3A = arith.select %and3A, %sub3A_86, %div3A : i32
      %broadcast_in_dim3A_87 = arith.constant -3.000000e+38 : f32
      %broadcast_in_dim3A_88 = vector.broadcast %broadcast_in_dim3A_87 : f32 to vector<16xf32>
      %broadcast_in_dim3A_89 = arith.constant -3.000000e+38 : f32
      %broadcast_in_dim3A_90 = vector.broadcast %broadcast_in_dim3A_89 : f32 to vector<16xf32>
      %broadcast_in_dim3A_91 = arith.constant -3.000000e+38 : f32
      %broadcast_in_dim3A_92 = vector.broadcast %broadcast_in_dim3A_91 : f32 to vector<16xf32>
      %broadcast_in_dim3A_93 = arith.constant -3.000000e+38 : f32
      %broadcast_in_dim3A_94 = vector.broadcast %broadcast_in_dim3A_93 : f32 to vector<16xf32>
      %scan3A_95 = arith.constant 0 : i32
      %scan3A_96 = arith.constant 64 : i32
      %scan3A_97 = arith.addi %scan3A_95, %scan3A_96 : i32
      %scan3A_98 = arith.constant 1 : i32
      %scan3A_99:4 = scf.for %scan3A_543 = %scan3A_95 to %scan3A_97 step %scan3A_98 iter_args(%scan3A_544 = %broadcast_in_dim3A_88, %scan3A_545 = %broadcast_in_dim3A_90, %scan3A_546 = %broadcast_in_dim3A_92, %scan3A_547 = %broadcast_in_dim3A_94) -> (vector<16xf32>, vector<16xf32>, vector<16xf32>, vector<16xf32>)  : i32 {
        %broadcast_in_dim3A_548 = arith.constant -3.000000e+38 : f32
        %broadcast_in_dim3A_549 = vector.broadcast %broadcast_in_dim3A_548 : f32 to vector<16xf32>
        %while3A = arith.constant 0 : i32
        %while3A_550 = arith.subi %select_n3A, %while3A : i32
        %while3A_551 = arith.addi %while3A, %while3A_550 : i32
        %while3A_552 = arith.constant 1 : i32
        %while3A_553 = arith.divsi %while3A_550, %while3A_552 : i32
        %while3A_554 = arith.muli %while3A_553, %while3A_552 : i32
        %while3A_555 = arith.addi %while3A, %while3A_554 : i32
        %while3A_556 = arith.constant 1 : i32
        %while3A_557 = scf.for %while3A_620 = %while3A to %while3A_555 step %while3A_556 iter_args(%while3A_621 = %broadcast_in_dim3A_549) -> (vector<16xf32>)  : i32 {
          %mul3A_622 = arith.constant 16 : i32
          %mul3A_623 = arith.muli %while3A_620, %mul3A_622 : i32
          %get3A_624 = arith.index_cast %mul3A_623 : i32 to index
          %get3A_625 = tpu.vector_load %arg7[%get3A_624] {strides = array<i32>} : memref<512xf32, #tpu.memory_space<vmem>>, vector<16xf32>,
          %max3A_626 = arith.maximumf %while3A_621, %get3A_625 : vector<16xf32>
          scf.yield %max3A_626 : vector<16xf32>
        }
        %while3A_558 = arith.constant 1 : i32
        %while3A_559 = scf.for %while3A_620 = %while3A_555 to %while3A_551 step %while3A_558 iter_args(%while3A_621 = %while3A_557) -> (vector<16xf32>)  : i32 {
          %mul3A_622 = arith.constant 16 : i32
          %mul3A_623 = arith.muli %while3A_620, %mul3A_622 : i32
          %get3A_624 = arith.index_cast %mul3A_623 : i32 to index
          %get3A_625 = tpu.vector_load %arg7[%get3A_624] {strides = array<i32>} : memref<512xf32, #tpu.memory_space<vmem>>, vector<16xf32>,
          %max3A_626 = arith.maximumf %while3A_621, %get3A_625 : vector<16xf32>
          scf.yield %max3A_626 : vector<16xf32>
        }
        %reduce_max3A_560 = arith.constant true
        %reduce_max3A_561 = vector.broadcast %reduce_max3A_560 : i1 to vector<16xi1>
        %reduce_max3A_562 = tpu.scan <max>, %while3A_559 masked %reduce_max3A_561 : vector<16xf32>, vector<16xi1> -> vector<16xf32>
        %reduce_max3A_563 = vector.extract %reduce_max3A_562[15] : f32 from vector<16xf32>
        %broadcast_in_dim3A_564 = vector.broadcast %reduce_max3A_563 : f32 to vector<16xf32>
        %while3A_565 = arith.constant 0 : i32
        %while3A_566 = arith.constant false
        %while3A_567 = arith.subi %select_n3A, %while3A_565 : i32
        %while3A_568 = arith.addi %while3A_565, %while3A_567 : i32
        %while3A_569 = arith.constant 1 : i32
        %while3A_570 = arith.divsi %while3A_567, %while3A_569 : i32
        %while3A_571 = arith.muli %while3A_570, %while3A_569 : i32
        %while3A_572 = arith.addi %while3A_565, %while3A_571 : i32
        %while3A_573 = arith.constant 1 : i32
        %while3A_574 = scf.for %while3A_620 = %while3A_565 to %while3A_572 step %while3A_573 iter_args(%while3A_621 = %while3A_566) -> (i1)  : i32 {
          %mul3A_622 = arith.constant 16 : i32
          %mul3A_623 = arith.muli %while3A_620, %mul3A_622 : i32
          %get3A_624 = arith.index_cast %mul3A_623 : i32 to index
          %get3A_625 = tpu.vector_load %arg7[%get3A_624] {strides = array<i32>} : memref<512xf32, #tpu.memory_space<vmem>>, vector<16xf32>,
          %eq3A_626 = arith.cmpf oeq, %get3A_625, %broadcast_in_dim3A_564 : vector<16xf32>
          %reduce_or3A = arith.constant 1.000000e+00 : f32
          %reduce_or3A_627 = arith.constant 0.000000e+00 : f32
          %reduce_or3A_628 = vector.broadcast %reduce_or3A : f32 to vector<16xf32>
          %reduce_or3A_629 = vector.broadcast %reduce_or3A_627 : f32 to vector<16xf32>
          %reduce_or3A_630 = arith.select %eq3A_626, %reduce_or3A_628, %reduce_or3A_629 : vector<16xi1>, vector<16xf32>
          %reduce_or3A_631 = arith.constant true
          %reduce_or3A_632 = vector.broadcast %reduce_or3A_631 : i1 to vector<16xi1>
          %reduce_or3A_633 = tpu.scan <max>, %reduce_or3A_630 masked %reduce_or3A_632 : vector<16xf32>, vector<16xi1> -> vector<16xf32>
          %reduce_or3A_634 = vector.extract %reduce_or3A_633[15] : f32 from vector<16xf32>
          %reduce_or3A_635 = arith.constant 0.000000e+00 : f32
          %reduce_or3A_636 = arith.cmpf ogt, %reduce_or3A_634, %reduce_or3A_635 : f32
          %all_reduce_ffs3A = tpu.all_reduce %eq3A_626 {dim = 0 : i64, kind = #tpu.reduction_kind<find_first_set>} : vector<16xi1> -> vector<16xi32>
          %not3A = arith.constant true
          %not3A_637 = arith.xori %while3A_621, %not3A : i1
          %and3A_638 = arith.andi %reduce_or3A_636, %not3A_637 : i1
          %eq3A_639 = arith.cmpi eq, %iota3A, %all_reduce_ffs3A : vector<16xi32>
          %broadcast_in_dim3A_640 = vector.broadcast %and3A_638 : i1 to vector<16xi1>
          %and3A_641 = arith.andi %eq3A_639, %broadcast_in_dim3A_640 : vector<16xi1>
          %broadcast_in_dim3A_642 = arith.constant -3.000000e+38 : f32
          %broadcast_in_dim3A_643 = vector.broadcast %broadcast_in_dim3A_642 : f32 to vector<16xf32>
          %select_n3A_644 = arith.select %and3A_641, %broadcast_in_dim3A_643, %get3A_625 : vector<16xi1>, vector<16xf32>
          %mul3A_645 = arith.constant 16 : i32
          %mul3A_646 = arith.muli %while3A_620, %mul3A_645 : i32
          %swap3A_647 = arith.index_cast %mul3A_646 : i32 to index
          %swap3A_648 = tpu.vector_load %arg7[%swap3A_647] {strides = array<i32>} : memref<512xf32, #tpu.memory_space<vmem>>, vector<16xf32>,
          tpu.vector_store %arg7[%swap3A_647], %select_n3A_644 {strides = array<i32>} : memref<512xf32, #tpu.memory_space<vmem>>, vector<16xf32>,
          %or3A = arith.ori %while3A_621, %reduce_or3A_636 : i1
          scf.yield %or3A : i1
        }
        %while3A_575 = arith.constant 1 : i32
        %while3A_576 = scf.for %while3A_620 = %while3A_572 to %while3A_568 step %while3A_575 iter_args(%while3A_621 = %while3A_574) -> (i1)  : i32 {
          %mul3A_622 = arith.constant 16 : i32
          %mul3A_623 = arith.muli %while3A_620, %mul3A_622 : i32
          %get3A_624 = arith.index_cast %mul3A_623 : i32 to index
          %get3A_625 = tpu.vector_load %arg7[%get3A_624] {strides = array<i32>} : memref<512xf32, #tpu.memory_space<vmem>>, vector<16xf32>,
          %eq3A_626 = arith.cmpf oeq, %get3A_625, %broadcast_in_dim3A_564 : vector<16xf32>
          %reduce_or3A = arith.constant 1.000000e+00 : f32
          %reduce_or3A_627 = arith.constant 0.000000e+00 : f32
          %reduce_or3A_628 = vector.broadcast %reduce_or3A : f32 to vector<16xf32>
          %reduce_or3A_629 = vector.broadcast %reduce_or3A_627 : f32 to vector<16xf32>
          %reduce_or3A_630 = arith.select %eq3A_626, %reduce_or3A_628, %reduce_or3A_629 : vector<16xi1>, vector<16xf32>
          %reduce_or3A_631 = arith.constant true
          %reduce_or3A_632 = vector.broadcast %reduce_or3A_631 : i1 to vector<16xi1>
          %reduce_or3A_633 = tpu.scan <max>, %reduce_or3A_630 masked %reduce_or3A_632 : vector<16xf32>, vector<16xi1> -> vector<16xf32>
          %reduce_or3A_634 = vector.extract %reduce_or3A_633[15] : f32 from vector<16xf32>
          %reduce_or3A_635 = arith.constant 0.000000e+00 : f32
          %reduce_or3A_636 = arith.cmpf ogt, %reduce_or3A_634, %reduce_or3A_635 : f32
          %all_reduce_ffs3A = tpu.all_reduce %eq3A_626 {dim = 0 : i64, kind = #tpu.reduction_kind<find_first_set>} : vector<16xi1> -> vector<16xi32>
          %not3A = arith.constant true
          %not3A_637 = arith.xori %while3A_621, %not3A : i1
          %and3A_638 = arith.andi %reduce_or3A_636, %not3A_637 : i1
          %eq3A_639 = arith.cmpi eq, %iota3A, %all_reduce_ffs3A : vector<16xi32>
          %broadcast_in_dim3A_640 = vector.broadcast %and3A_638 : i1 to vector<16xi1>
          %and3A_641 = arith.andi %eq3A_639, %broadcast_in_dim3A_640 : vector<16xi1>
          %broadcast_in_dim3A_642 = arith.constant -3.000000e+38 : f32
          %broadcast_in_dim3A_643 = vector.broadcast %broadcast_in_dim3A_642 : f32 to vector<16xf32>
          %select_n3A_644 = arith.select %and3A_641, %broadcast_in_dim3A_643, %get3A_625 : vector<16xi1>, vector<16xf32>
          %mul3A_645 = arith.constant 16 : i32
          %mul3A_646 = arith.muli %while3A_620, %mul3A_645 : i32
          %swap3A_647 = arith.index_cast %mul3A_646 : i32 to index
          %swap3A_648 = tpu.vector_load %arg7[%swap3A_647] {strides = array<i32>} : memref<512xf32, #tpu.memory_space<vmem>>, vector<16xf32>,
          tpu.vector_store %arg7[%swap3A_647], %select_n3A_644 {strides = array<i32>} : memref<512xf32, #tpu.memory_space<vmem>>, vector<16xf32>,
          %or3A = arith.ori %while3A_621, %reduce_or3A_636 : i1
          scf.yield %or3A : i1
        }
        %shift_right_arithmetic3A = arith.constant 4 : i32
        %shift_right_arithmetic3A_577 = arith.shrsi %scan3A_543, %shift_right_arithmetic3A : i32
        %eq3A_578 = arith.constant 0 : i32
        %eq3A_579 = arith.cmpi eq, %shift_right_arithmetic3A_577, %eq3A_578 : i32
        %broadcast_in_dim3A_580 = vector.broadcast %eq3A_579 : i1 to vector<16xi1>
        %and3A_581 = arith.constant 15 : i32
        %and3A_582 = arith.andi %scan3A_543, %and3A_581 : i32
        %eq3A_583 = vector.broadcast %and3A_582 : i32 to vector<16xi32>
        %eq3A_584 = arith.cmpi eq, %iota3A, %eq3A_583 : vector<16xi32>
        %and3A_585 = arith.andi %broadcast_in_dim3A_580, %eq3A_584 : vector<16xi1>
        %select_n3A_586 = arith.select %and3A_585, %broadcast_in_dim3A_564, %scan3A_544 : vector<16xi1>, vector<16xf32>
        %shift_right_arithmetic3A_587 = arith.constant 4 : i32
        %shift_right_arithmetic3A_588 = arith.shrsi %scan3A_543, %shift_right_arithmetic3A_587 : i32
        %eq3A_589 = arith.constant 1 : i32
        %eq3A_590 = arith.cmpi eq, %shift_right_arithmetic3A_588, %eq3A_589 : i32
        %broadcast_in_dim3A_591 = vector.broadcast %eq3A_590 : i1 to vector<16xi1>
        %and3A_592 = arith.constant 15 : i32
        %and3A_593 = arith.andi %scan3A_543, %and3A_592 : i32
        %eq3A_594 = vector.broadcast %and3A_593 : i32 to vector<16xi32>
        %eq3A_595 = arith.cmpi eq, %iota3A, %eq3A_594 : vector<16xi32>
        %and3A_596 = arith.andi %broadcast_in_dim3A_591, %eq3A_595 : vector<16xi1>
        %select_n3A_597 = arith.select %and3A_596, %broadcast_in_dim3A_564, %scan3A_545 : vector<16xi1>, vector<16xf32>
        %shift_right_arithmetic3A_598 = arith.constant 4 : i32
        %shift_right_arithmetic3A_599 = arith.shrsi %scan3A_543, %shift_right_arithmetic3A_598 : i32
        %eq3A_600 = arith.constant 2 : i32
        %eq3A_601 = arith.cmpi eq, %shift_right_arithmetic3A_599, %eq3A_600 : i32
        %broadcast_in_dim3A_602 = vector.broadcast %eq3A_601 : i1 to vector<16xi1>
        %and3A_603 = arith.constant 15 : i32
        %and3A_604 = arith.andi %scan3A_543, %and3A_603 : i32
        %eq3A_605 = vector.broadcast %and3A_604 : i32 to vector<16xi32>
        %eq3A_606 = arith.cmpi eq, %iota3A, %eq3A_605 : vector<16xi32>
        %and3A_607 = arith.andi %broadcast_in_dim3A_602, %eq3A_606 : vector<16xi1>
        %select_n3A_608 = arith.select %and3A_607, %broadcast_in_dim3A_564, %scan3A_546 : vector<16xi1>, vector<16xf32>
        %shift_right_arithmetic3A_609 = arith.constant 4 : i32
        %shift_right_arithmetic3A_610 = arith.shrsi %scan3A_543, %shift_right_arithmetic3A_609 : i32
        %eq3A_611 = arith.constant 3 : i32
        %eq3A_612 = arith.cmpi eq, %shift_right_arithmetic3A_610, %eq3A_611 : i32
        %broadcast_in_dim3A_613 = vector.broadcast %eq3A_612 : i1 to vector<16xi1>
        %and3A_614 = arith.constant 15 : i32
        %and3A_615 = arith.andi %scan3A_543, %and3A_614 : i32
        %eq3A_616 = vector.broadcast %and3A_615 : i32 to vector<16xi32>
        %eq3A_617 = arith.cmpi eq, %iota3A, %eq3A_616 : vector<16xi32>
        %and3A_618 = arith.andi %broadcast_in_dim3A_613, %eq3A_617 : vector<16xi1>
        %select_n3A_619 = arith.select %and3A_618, %broadcast_in_dim3A_564, %scan3A_547 : vector<16xi1>, vector<16xf32>
        scf.yield %select_n3A_586, %select_n3A_597, %select_n3A_608, %select_n3A_619 : vector<16xf32>, vector<16xf32>, vector<16xf32>, vector<16xf32>
      }
      %scan3A_100 = arith.constant 64 : i32
      %add3A_101 = arith.constant 15 : i32
      %add3A_102 = vector.broadcast %add3A_101 : i32 to vector<16xi32>
      %add3A_103 = arith.addi %iota3A, %add3A_102 : vector<16xi32>
      %and3A_104 = arith.constant 15 : i32
      %and3A_105 = vector.broadcast %and3A_104 : i32 to vector<16xi32>
      %and3A_106 = arith.andi %add3A_103, %and3A_105 : vector<16xi32>
      %eq3A = arith.constant 0 : i32
      %eq3A_107 = vector.broadcast %eq3A : i32 to vector<16xi32>
      %eq3A_108 = arith.cmpi eq, %iota3A, %eq3A_107 : vector<16xi32>
      %broadcast_in_dim3A_109 = arith.constant 3.000000e+38 : f32
      %broadcast_in_dim3A_110 = vector.broadcast %broadcast_in_dim3A_109 : f32 to vector<16xf32>
      %broadcast_in_dim3A_111 = vector.shape_cast %and3A_106 : vector<16xi32> to vector<16x1xi32>
      %gather3A = vector.shape_cast %broadcast_in_dim3A_111 : vector<16x1xi32> to vector<16xi32>
      %gather3A_112 = tpu.dynamic_gather %scan3A_99#0[%gather3A] in [0] : vector<16xf32>, vector<16xi32> -> vector<16xf32>
      %select_n3A_113 = arith.select %eq3A_108, %broadcast_in_dim3A_110, %gather3A_112 : vector<16xi1>, vector<16xf32>
      %ne3A_114 = arith.cmpf one, %scan3A_99#0, %select_n3A_113 : vector<16xf32>
      %add3A_115 = arith.constant 0 : i32
      %add3A_116 = vector.broadcast %add3A_115 : i32 to vector<16xi32>
      %add3A_117 = arith.addi %iota3A, %add3A_116 : vector<16xi32>
      %jit3A_118 = arith.constant -1 : i32
      %broadcast_in_dim3A_119 = vector.broadcast %jit3A_118 : i32 to vector<16xi32>
      %select_n3A_120 = arith.select %ne3A_114, %add3A_117, %broadcast_in_dim3A_119 : vector<16xi1>, vector<16xi32>
      %broadcast_in_dim3A_121 = arith.constant true
      %broadcast_in_dim3A_122 = vector.broadcast %broadcast_in_dim3A_121 : i1 to vector<16xi1>
      %masked_cummax3A = arith.constant -2147483648 : i32
      %masked_cummax3A_123 = vector.broadcast %masked_cummax3A : i32 to vector<16xi32>
      %masked_cummax3A_124 = arith.xori %select_n3A_120, %masked_cummax3A_123 : vector<16xi32>
      %masked_cummax3A_125 = tpu.scan <max>, %masked_cummax3A_124 masked %broadcast_in_dim3A_122 : vector<16xi32>, vector<16xi1> -> vector<16xi32>
      %masked_cummax3A_126 = arith.xori %masked_cummax3A_125, %masked_cummax3A_123 : vector<16xi32>
      %broadcast_in_dim3A_127 = arith.constant -1 : i32
      %broadcast_in_dim3A_128 = vector.broadcast %broadcast_in_dim3A_127 : i32 to vector<16xi32>
      %max3A = arith.maxsi %masked_cummax3A_126, %broadcast_in_dim3A_128 : vector<16xi32>
      %lt3A = arith.cmpi slt, %max3A, %get3A_1 : vector<16xi32>
      %eq3A_129 = arith.constant 15 : i32
      %eq3A_130 = vector.broadcast %eq3A_129 : i32 to vector<16xi32>
      %eq3A_131 = arith.cmpi eq, %iota3A, %eq3A_130 : vector<16xi32>
      %jit3A_132 = arith.constant 0.000000e+00 : f32
      %broadcast_in_dim3A_133 = vector.broadcast %jit3A_132 : f32 to vector<16xf32>
      %select_n3A_134 = arith.select %eq3A_131, %scan3A_99#0, %broadcast_in_dim3A_133 : vector<16xi1>, vector<16xf32>
      %reduce_sum3A = arith.constant true
      %reduce_sum3A_135 = vector.broadcast %reduce_sum3A : i1 to vector<16xi1>
      %reduce_sum3A_136 = tpu.scan <sum>, %select_n3A_134 masked %reduce_sum3A_135 : vector<16xf32>, vector<16xi1> -> vector<16xf32>
      %reduce_sum3A_137 = vector.extract %reduce_sum3A_136[15] : f32 from vector<16xf32>
      %reduce_max3A_138 = arith.constant true
      %reduce_max3A_139 = vector.broadcast %reduce_max3A_138 : i1 to vector<16xi1>
      %reduce_max3A_140 = arith.constant -2147483648 : i32
      %reduce_max3A_141 = vector.broadcast %reduce_max3A_140 : i32 to vector<16xi32>
      %reduce_max3A_142 = arith.xori %max3A, %reduce_max3A_141 : vector<16xi32>
      %reduce_max3A_143 = tpu.scan <max>, %reduce_max3A_142 masked %reduce_max3A_139 : vector<16xi32>, vector<16xi1> -> vector<16xi32>
      %reduce_max3A_144 = arith.xori %reduce_max3A_143, %reduce_max3A_141 : vector<16xi32>
      %reduce_max3A_145 = vector.extract %reduce_max3A_144[15] : i32 from vector<16xi32>
      %broadcast_in_dim3A_146 = vector.broadcast %reduce_sum3A_137 : f32 to vector<16xf32>
      %broadcast_in_dim3A_147 = vector.shape_cast %and3A_106 : vector<16xi32> to vector<16x1xi32>
      %gather3A_148 = vector.shape_cast %broadcast_in_dim3A_147 : vector<16x1xi32> to vector<16xi32>
      %gather3A_149 = tpu.dynamic_gather %scan3A_99#1[%gather3A_148] in [0] : vector<16xf32>, vector<16xi32> -> vector<16xf32>
      %select_n3A_150 = arith.select %eq3A_108, %broadcast_in_dim3A_146, %gather3A_149 : vector<16xi1>, vector<16xf32>
      %ne3A_151 = arith.cmpf one, %scan3A_99#1, %select_n3A_150 : vector<16xf32>
      %add3A_152 = arith.constant 16 : i32
      %add3A_153 = vector.broadcast %add3A_152 : i32 to vector<16xi32>
      %add3A_154 = arith.addi %iota3A, %add3A_153 : vector<16xi32>
      %jit3A_155 = arith.constant -1 : i32
      %broadcast_in_dim3A_156 = vector.broadcast %jit3A_155 : i32 to vector<16xi32>
      %select_n3A_157 = arith.select %ne3A_151, %add3A_154, %broadcast_in_dim3A_156 : vector<16xi1>, vector<16xi32>
      %broadcast_in_dim3A_158 = arith.constant true
      %broadcast_in_dim3A_159 = vector.broadcast %broadcast_in_dim3A_158 : i1 to vector<16xi1>
      %masked_cummax3A_160 = arith.constant -2147483648 : i32
      %masked_cummax3A_161 = vector.broadcast %masked_cummax3A_160 : i32 to vector<16xi32>
      %masked_cummax3A_162 = arith.xori %select_n3A_157, %masked_cummax3A_161 : vector<16xi32>
      %masked_cummax3A_163 = tpu.scan <max>, %masked_cummax3A_162 masked %broadcast_in_dim3A_159 : vector<16xi32>, vector<16xi1> -> vector<16xi32>
      %masked_cummax3A_164 = arith.xori %masked_cummax3A_163, %masked_cummax3A_161 : vector<16xi32>
      %broadcast_in_dim3A_165 = vector.broadcast %reduce_max3A_145 : i32 to vector<16xi32>
      %max3A_166 = arith.maxsi %masked_cummax3A_164, %broadcast_in_dim3A_165 : vector<16xi32>
      %lt3A_167 = arith.cmpi slt, %max3A_166, %get3A_1 : vector<16xi32>
      %eq3A_168 = arith.constant 15 : i32
      %eq3A_169 = vector.broadcast %eq3A_168 : i32 to vector<16xi32>
      %eq3A_170 = arith.cmpi eq, %iota3A, %eq3A_169 : vector<16xi32>
      %jit3A_171 = arith.constant 0.000000e+00 : f32
      %broadcast_in_dim3A_172 = vector.broadcast %jit3A_171 : f32 to vector<16xf32>
      %select_n3A_173 = arith.select %eq3A_170, %scan3A_99#1, %broadcast_in_dim3A_172 : vector<16xi1>, vector<16xf32>
      %reduce_sum3A_174 = arith.constant true
      %reduce_sum3A_175 = vector.broadcast %reduce_sum3A_174 : i1 to vector<16xi1>
      %reduce_sum3A_176 = tpu.scan <sum>, %select_n3A_173 masked %reduce_sum3A_175 : vector<16xf32>, vector<16xi1> -> vector<16xf32>
      %reduce_sum3A_177 = vector.extract %reduce_sum3A_176[15] : f32 from vector<16xf32>
      %reduce_max3A_178 = arith.constant true
      %reduce_max3A_179 = vector.broadcast %reduce_max3A_178 : i1 to vector<16xi1>
      %reduce_max3A_180 = arith.constant -2147483648 : i32
      %reduce_max3A_181 = vector.broadcast %reduce_max3A_180 : i32 to vector<16xi32>
      %reduce_max3A_182 = arith.xori %max3A_166, %reduce_max3A_181 : vector<16xi32>
      %reduce_max3A_183 = tpu.scan <max>, %reduce_max3A_182 masked %reduce_max3A_179 : vector<16xi32>, vector<16xi1> -> vector<16xi32>
      %reduce_max3A_184 = arith.xori %reduce_max3A_183, %reduce_max3A_181 : vector<16xi32>
      %reduce_max3A_185 = vector.extract %reduce_max3A_184[15] : i32 from vector<16xi32>
      %broadcast_in_dim3A_186 = vector.broadcast %reduce_sum3A_177 : f32 to vector<16xf32>
      %broadcast_in_dim3A_187 = vector.shape_cast %and3A_106 : vector<16xi32> to vector<16x1xi32>
      %gather3A_188 = vector.shape_cast %broadcast_in_dim3A_187 : vector<16x1xi32> to vector<16xi32>
      %gather3A_189 = tpu.dynamic_gather %scan3A_99#2[%gather3A_188] in [0] : vector<16xf32>, vector<16xi32> -> vector<16xf32>
      %select_n3A_190 = arith.select %eq3A_108, %broadcast_in_dim3A_186, %gather3A_189 : vector<16xi1>, vector<16xf32>
      %ne3A_191 = arith.cmpf one, %scan3A_99#2, %select_n3A_190 : vector<16xf32>
      %add3A_192 = arith.constant 32 : i32
      %add3A_193 = vector.broadcast %add3A_192 : i32 to vector<16xi32>
      %add3A_194 = arith.addi %iota3A, %add3A_193 : vector<16xi32>
      %jit3A_195 = arith.constant -1 : i32
      %broadcast_in_dim3A_196 = vector.broadcast %jit3A_195 : i32 to vector<16xi32>
      %select_n3A_197 = arith.select %ne3A_191, %add3A_194, %broadcast_in_dim3A_196 : vector<16xi1>, vector<16xi32>
      %broadcast_in_dim3A_198 = arith.constant true
      %broadcast_in_dim3A_199 = vector.broadcast %broadcast_in_dim3A_198 : i1 to vector<16xi1>
      %masked_cummax3A_200 = arith.constant -2147483648 : i32
      %masked_cummax3A_201 = vector.broadcast %masked_cummax3A_200 : i32 to vector<16xi32>
      %masked_cummax3A_202 = arith.xori %select_n3A_197, %masked_cummax3A_201 : vector<16xi32>
      %masked_cummax3A_203 = tpu.scan <max>, %masked_cummax3A_202 masked %broadcast_in_dim3A_199 : vector<16xi32>, vector<16xi1> -> vector<16xi32>
      %masked_cummax3A_204 = arith.xori %masked_cummax3A_203, %masked_cummax3A_201 : vector<16xi32>
      %broadcast_in_dim3A_205 = vector.broadcast %reduce_max3A_185 : i32 to vector<16xi32>
      %max3A_206 = arith.maxsi %masked_cummax3A_204, %broadcast_in_dim3A_205 : vector<16xi32>
      %lt3A_207 = arith.cmpi slt, %max3A_206, %get3A_1 : vector<16xi32>
      %eq3A_208 = arith.constant 15 : i32
      %eq3A_209 = vector.broadcast %eq3A_208 : i32 to vector<16xi32>
      %eq3A_210 = arith.cmpi eq, %iota3A, %eq3A_209 : vector<16xi32>
      %jit3A_211 = arith.constant 0.000000e+00 : f32
      %broadcast_in_dim3A_212 = vector.broadcast %jit3A_211 : f32 to vector<16xf32>
      %select_n3A_213 = arith.select %eq3A_210, %scan3A_99#2, %broadcast_in_dim3A_212 : vector<16xi1>, vector<16xf32>
      %reduce_sum3A_214 = arith.constant true
      %reduce_sum3A_215 = vector.broadcast %reduce_sum3A_214 : i1 to vector<16xi1>
      %reduce_sum3A_216 = tpu.scan <sum>, %select_n3A_213 masked %reduce_sum3A_215 : vector<16xf32>, vector<16xi1> -> vector<16xf32>
      %reduce_sum3A_217 = vector.extract %reduce_sum3A_216[15] : f32 from vector<16xf32>
      %reduce_max3A_218 = arith.constant true
      %reduce_max3A_219 = vector.broadcast %reduce_max3A_218 : i1 to vector<16xi1>
      %reduce_max3A_220 = arith.constant -2147483648 : i32
      %reduce_max3A_221 = vector.broadcast %reduce_max3A_220 : i32 to vector<16xi32>
      %reduce_max3A_222 = arith.xori %max3A_206, %reduce_max3A_221 : vector<16xi32>
      %reduce_max3A_223 = tpu.scan <max>, %reduce_max3A_222 masked %reduce_max3A_219 : vector<16xi32>, vector<16xi1> -> vector<16xi32>
      %reduce_max3A_224 = arith.xori %reduce_max3A_223, %reduce_max3A_221 : vector<16xi32>
      %reduce_max3A_225 = vector.extract %reduce_max3A_224[15] : i32 from vector<16xi32>
      %broadcast_in_dim3A_226 = vector.broadcast %reduce_sum3A_217 : f32 to vector<16xf32>
      %broadcast_in_dim3A_227 = vector.shape_cast %and3A_106 : vector<16xi32> to vector<16x1xi32>
      %gather3A_228 = vector.shape_cast %broadcast_in_dim3A_227 : vector<16x1xi32> to vector<16xi32>
      %gather3A_229 = tpu.dynamic_gather %scan3A_99#3[%gather3A_228] in [0] : vector<16xf32>, vector<16xi32> -> vector<16xf32>
      %select_n3A_230 = arith.select %eq3A_108, %broadcast_in_dim3A_226, %gather3A_229 : vector<16xi1>, vector<16xf32>
      %ne3A_231 = arith.cmpf one, %scan3A_99#3, %select_n3A_230 : vector<16xf32>
      %add3A_232 = arith.constant 48 : i32
      %add3A_233 = vector.broadcast %add3A_232 : i32 to vector<16xi32>
      %add3A_234 = arith.addi %iota3A, %add3A_233 : vector<16xi32>
      %jit3A_235 = arith.constant -1 : i32
      %broadcast_in_dim3A_236 = vector.broadcast %jit3A_235 : i32 to vector<16xi32>
      %select_n3A_237 = arith.select %ne3A_231, %add3A_234, %broadcast_in_dim3A_236 : vector<16xi1>, vector<16xi32>
      %broadcast_in_dim3A_238 = arith.constant true
      %broadcast_in_dim3A_239 = vector.broadcast %broadcast_in_dim3A_238 : i1 to vector<16xi1>
      %masked_cummax3A_240 = arith.constant -2147483648 : i32
      %masked_cummax3A_241 = vector.broadcast %masked_cummax3A_240 : i32 to vector<16xi32>
      %masked_cummax3A_242 = arith.xori %select_n3A_237, %masked_cummax3A_241 : vector<16xi32>
      %masked_cummax3A_243 = tpu.scan <max>, %masked_cummax3A_242 masked %broadcast_in_dim3A_239 : vector<16xi32>, vector<16xi1> -> vector<16xi32>
      %masked_cummax3A_244 = arith.xori %masked_cummax3A_243, %masked_cummax3A_241 : vector<16xi32>
      %broadcast_in_dim3A_245 = vector.broadcast %reduce_max3A_225 : i32 to vector<16xi32>
      %max3A_246 = arith.maxsi %masked_cummax3A_244, %broadcast_in_dim3A_245 : vector<16xi32>
      %lt3A_247 = arith.cmpi slt, %max3A_246, %get3A_1 : vector<16xi32>
      %eq3A_248 = arith.constant 15 : i32
      %eq3A_249 = vector.broadcast %eq3A_248 : i32 to vector<16xi32>
      %eq3A_250 = arith.cmpi eq, %iota3A, %eq3A_249 : vector<16xi32>
      %jit3A_251 = arith.constant 0.000000e+00 : f32
      %broadcast_in_dim3A_252 = vector.broadcast %jit3A_251 : f32 to vector<16xf32>
      %select_n3A_253 = arith.select %eq3A_250, %scan3A_99#3, %broadcast_in_dim3A_252 : vector<16xi1>, vector<16xf32>
      %reduce_sum3A_254 = arith.constant true
      %reduce_sum3A_255 = vector.broadcast %reduce_sum3A_254 : i1 to vector<16xi1>
      %reduce_sum3A_256 = tpu.scan <sum>, %select_n3A_253 masked %reduce_sum3A_255 : vector<16xf32>, vector<16xi1> -> vector<16xf32>
      %reduce_sum3A_257 = vector.extract %reduce_sum3A_256[15] : f32 from vector<16xf32>
      %reduce_max3A_258 = arith.constant true
      %reduce_max3A_259 = vector.broadcast %reduce_max3A_258 : i1 to vector<16xi1>
      %reduce_max3A_260 = arith.constant -2147483648 : i32
      %reduce_max3A_261 = vector.broadcast %reduce_max3A_260 : i32 to vector<16xi32>
      %reduce_max3A_262 = arith.xori %max3A_246, %reduce_max3A_261 : vector<16xi32>
      %reduce_max3A_263 = tpu.scan <max>, %reduce_max3A_262 masked %reduce_max3A_259 : vector<16xi32>, vector<16xi1> -> vector<16xi32>
      %reduce_max3A_264 = arith.xori %reduce_max3A_263, %reduce_max3A_261 : vector<16xi32>
      %reduce_max3A_265 = vector.extract %reduce_max3A_264[15] : i32 from vector<16xi32>
      %jit3A_266 = arith.constant 0.000000e+00 : f32
      %broadcast_in_dim3A_267 = vector.broadcast %jit3A_266 : f32 to vector<16xf32>
      %select_n3A_268 = arith.select %eq3A_108, %scan3A_99#0, %broadcast_in_dim3A_267 : vector<16xi1>, vector<16xf32>
      %reduce_sum3A_269 = arith.constant true
      %reduce_sum3A_270 = vector.broadcast %reduce_sum3A_269 : i1 to vector<16xi1>
      %reduce_sum3A_271 = tpu.scan <sum>, %select_n3A_268 masked %reduce_sum3A_270 : vector<16xf32>, vector<16xi1> -> vector<16xf32>
      %reduce_sum3A_272 = vector.extract %reduce_sum3A_271[15] : f32 from vector<16xf32>
      %broadcast_in_dim3A_273 = vector.broadcast %reduce_sum3A_272 : f32 to vector<16xf32>
      %select_n3A_274 = arith.select %lt3A, %scan3A_99#0, %broadcast_in_dim3A_273 : vector<16xi1>, vector<16xf32>
      %sub3A_275 = vector.broadcast %reduce_sum3A_272 : f32 to vector<16xf32>
      %sub3A_276 = arith.subf %select_n3A_274, %sub3A_275 : vector<16xf32>
      %exp3A = math.exp %sub3A_276 : vector<16xf32>
      %jit3A_277 = arith.constant 0.000000e+00 : f32
      %broadcast_in_dim3A_278 = vector.broadcast %jit3A_277 : f32 to vector<16xf32>
      %select_n3A_279 = arith.select %lt3A, %exp3A, %broadcast_in_dim3A_278 : vector<16xi1>, vector<16xf32>
      %broadcast_in_dim3A_280 = vector.broadcast %reduce_sum3A_272 : f32 to vector<16xf32>
      %select_n3A_281 = arith.select %lt3A_167, %scan3A_99#1, %broadcast_in_dim3A_280 : vector<16xi1>, vector<16xf32>
      %sub3A_282 = vector.broadcast %reduce_sum3A_272 : f32 to vector<16xf32>
      %sub3A_283 = arith.subf %select_n3A_281, %sub3A_282 : vector<16xf32>
      %exp3A_284 = math.exp %sub3A_283 : vector<16xf32>
      %jit3A_285 = arith.constant 0.000000e+00 : f32
      %broadcast_in_dim3A_286 = vector.broadcast %jit3A_285 : f32 to vector<16xf32>
      %select_n3A_287 = arith.select %lt3A_167, %exp3A_284, %broadcast_in_dim3A_286 : vector<16xi1>, vector<16xf32>
      %broadcast_in_dim3A_288 = vector.broadcast %reduce_sum3A_272 : f32 to vector<16xf32>
      %select_n3A_289 = arith.select %lt3A_207, %scan3A_99#2, %broadcast_in_dim3A_288 : vector<16xi1>, vector<16xf32>
      %sub3A_290 = vector.broadcast %reduce_sum3A_272 : f32 to vector<16xf32>
      %sub3A_291 = arith.subf %select_n3A_289, %sub3A_290 : vector<16xf32>
      %exp3A_292 = math.exp %sub3A_291 : vector<16xf32>
      %jit3A_293 = arith.constant 0.000000e+00 : f32
      %broadcast_in_dim3A_294 = vector.broadcast %jit3A_293 : f32 to vector<16xf32>
      %select_n3A_295 = arith.select %lt3A_207, %exp3A_292, %broadcast_in_dim3A_294 : vector<16xi1>, vector<16xf32>
      %broadcast_in_dim3A_296 = vector.broadcast %reduce_sum3A_272 : f32 to vector<16xf32>
      %select_n3A_297 = arith.select %lt3A_247, %scan3A_99#3, %broadcast_in_dim3A_296 : vector<16xi1>, vector<16xf32>
      %sub3A_298 = vector.broadcast %reduce_sum3A_272 : f32 to vector<16xf32>
      %sub3A_299 = arith.subf %select_n3A_297, %sub3A_298 : vector<16xf32>
      %exp3A_300 = math.exp %sub3A_299 : vector<16xf32>
      %jit3A_301 = arith.constant 0.000000e+00 : f32
      %broadcast_in_dim3A_302 = vector.broadcast %jit3A_301 : f32 to vector<16xf32>
      %select_n3A_303 = arith.select %lt3A_247, %exp3A_300, %broadcast_in_dim3A_302 : vector<16xi1>, vector<16xf32>
      %reduce_sum3A_304 = arith.constant true
      %reduce_sum3A_305 = vector.broadcast %reduce_sum3A_304 : i1 to vector<16xi1>
      %reduce_sum3A_306 = tpu.scan <sum>, %select_n3A_279 masked %reduce_sum3A_305 : vector<16xf32>, vector<16xi1> -> vector<16xf32>
      %reduce_sum3A_307 = vector.extract %reduce_sum3A_306[15] : f32 from vector<16xf32>
      %add3A_308 = arith.constant 0.000000e+00 : f32
      %add3A_309 = arith.addf %add3A_308, %reduce_sum3A_307 : f32
      %reduce_sum3A_310 = arith.constant true
      %reduce_sum3A_311 = vector.broadcast %reduce_sum3A_310 : i1 to vector<16xi1>
      %reduce_sum3A_312 = tpu.scan <sum>, %select_n3A_287 masked %reduce_sum3A_311 : vector<16xf32>, vector<16xi1> -> vector<16xf32>
      %reduce_sum3A_313 = vector.extract %reduce_sum3A_312[15] : f32 from vector<16xf32>
      %add3A_314 = arith.addf %add3A_309, %reduce_sum3A_313 : f32
      %reduce_sum3A_315 = arith.constant true
      %reduce_sum3A_316 = vector.broadcast %reduce_sum3A_315 : i1 to vector<16xi1>
      %reduce_sum3A_317 = tpu.scan <sum>, %select_n3A_295 masked %reduce_sum3A_316 : vector<16xf32>, vector<16xi1> -> vector<16xf32>
      %reduce_sum3A_318 = vector.extract %reduce_sum3A_317[15] : f32 from vector<16xf32>
      %add3A_319 = arith.addf %add3A_314, %reduce_sum3A_318 : f32
      %reduce_sum3A_320 = arith.constant true
      %reduce_sum3A_321 = vector.broadcast %reduce_sum3A_320 : i1 to vector<16xi1>
      %reduce_sum3A_322 = tpu.scan <sum>, %select_n3A_303 masked %reduce_sum3A_321 : vector<16xf32>, vector<16xi1> -> vector<16xf32>
      %reduce_sum3A_323 = vector.extract %reduce_sum3A_322[15] : f32 from vector<16xf32>
      %add3A_324 = arith.addf %add3A_319, %reduce_sum3A_323 : f32
      %div3A_325 = vector.broadcast %add3A_324 : f32 to vector<16xf32>
      %div3A_326 = arith.divf %select_n3A_279, %div3A_325 : vector<16xf32>
      %div3A_327 = vector.broadcast %add3A_324 : f32 to vector<16xf32>
      %div3A_328 = arith.divf %select_n3A_287, %div3A_327 : vector<16xf32>
      %div3A_329 = vector.broadcast %add3A_324 : f32 to vector<16xf32>
      %div3A_330 = arith.divf %select_n3A_295, %div3A_329 : vector<16xf32>
      %div3A_331 = vector.broadcast %add3A_324 : f32 to vector<16xf32>
      %div3A_332 = arith.divf %select_n3A_303, %div3A_331 : vector<16xf32>
      %broadcast_in_dim3A_333 = arith.constant true
      %broadcast_in_dim3A_334 = vector.broadcast %broadcast_in_dim3A_333 : i1 to vector<16xi1>
      %masked_cumsum3A = tpu.scan <sum>, %div3A_326 masked %broadcast_in_dim3A_334 : vector<16xf32>, vector<16xi1> -> vector<16xf32>
      %add3A_335 = arith.constant 0.000000e+00 : f32
      %add3A_336 = vector.broadcast %add3A_335 : f32 to vector<16xf32>
      %add3A_337 = arith.addf %masked_cumsum3A, %add3A_336 : vector<16xf32>
      %reduce_sum3A_338 = arith.constant true
      %reduce_sum3A_339 = vector.broadcast %reduce_sum3A_338 : i1 to vector<16xi1>
      %reduce_sum3A_340 = tpu.scan <sum>, %div3A_326 masked %reduce_sum3A_339 : vector<16xf32>, vector<16xi1> -> vector<16xf32>
      %reduce_sum3A_341 = vector.extract %reduce_sum3A_340[15] : f32 from vector<16xf32>
      %add3A_342 = arith.constant 0.000000e+00 : f32
      %add3A_343 = arith.addf %add3A_342, %reduce_sum3A_341 : f32
      %broadcast_in_dim3A_344 = arith.constant true
      %broadcast_in_dim3A_345 = vector.broadcast %broadcast_in_dim3A_344 : i1 to vector<16xi1>
      %masked_cumsum3A_346 = tpu.scan <sum>, %div3A_328 masked %broadcast_in_dim3A_345 : vector<16xf32>, vector<16xi1> -> vector<16xf32>
      %add3A_347 = vector.broadcast %add3A_343 : f32 to vector<16xf32>
      %add3A_348 = arith.addf %masked_cumsum3A_346, %add3A_347 : vector<16xf32>
      %reduce_sum3A_349 = arith.constant true
      %reduce_sum3A_350 = vector.broadcast %reduce_sum3A_349 : i1 to vector<16xi1>
      %reduce_sum3A_351 = tpu.scan <sum>, %div3A_328 masked %reduce_sum3A_350 : vector<16xf32>, vector<16xi1> -> vector<16xf32>
      %reduce_sum3A_352 = vector.extract %reduce_sum3A_351[15] : f32 from vector<16xf32>
      %add3A_353 = arith.addf %add3A_343, %reduce_sum3A_352 : f32
      %broadcast_in_dim3A_354 = arith.constant true
      %broadcast_in_dim3A_355 = vector.broadcast %broadcast_in_dim3A_354 : i1 to vector<16xi1>
      %masked_cumsum3A_356 = tpu.scan <sum>, %div3A_330 masked %broadcast_in_dim3A_355 : vector<16xf32>, vector<16xi1> -> vector<16xf32>
      %add3A_357 = vector.broadcast %add3A_353 : f32 to vector<16xf32>
      %add3A_358 = arith.addf %masked_cumsum3A_356, %add3A_357 : vector<16xf32>
      %reduce_sum3A_359 = arith.constant true
      %reduce_sum3A_360 = vector.broadcast %reduce_sum3A_359 : i1 to vector<16xi1>
      %reduce_sum3A_361 = tpu.scan <sum>, %div3A_330 masked %reduce_sum3A_360 : vector<16xf32>, vector<16xi1> -> vector<16xf32>
      %reduce_sum3A_362 = vector.extract %reduce_sum3A_361[15] : f32 from vector<16xf32>
      %add3A_363 = arith.addf %add3A_353, %reduce_sum3A_362 : f32
      %broadcast_in_dim3A_364 = arith.constant true
      %broadcast_in_dim3A_365 = vector.broadcast %broadcast_in_dim3A_364 : i1 to vector<16xi1>
      %masked_cumsum3A_366 = tpu.scan <sum>, %div3A_332 masked %broadcast_in_dim3A_365 : vector<16xf32>, vector<16xi1> -> vector<16xf32>
      %add3A_367 = vector.broadcast %add3A_363 : f32 to vector<16xf32>
      %add3A_368 = arith.addf %masked_cumsum3A_366, %add3A_367 : vector<16xf32>
      %reduce_sum3A_369 = arith.constant true
      %reduce_sum3A_370 = vector.broadcast %reduce_sum3A_369 : i1 to vector<16xi1>
      %reduce_sum3A_371 = tpu.scan <sum>, %div3A_332 masked %reduce_sum3A_370 : vector<16xf32>, vector<16xi1> -> vector<16xf32>
      %reduce_sum3A_372 = vector.extract %reduce_sum3A_371[15] : f32 from vector<16xf32>
      %add3A_373 = arith.addf %add3A_363, %reduce_sum3A_372 : f32
      %broadcast_in_dim3A_374 = arith.constant 0.000000e+00 : f32
      %broadcast_in_dim3A_375 = vector.broadcast %broadcast_in_dim3A_374 : f32 to vector<16xf32>
      %broadcast_in_dim3A_376 = vector.shape_cast %and3A_106 : vector<16xi32> to vector<16x1xi32>
      %gather3A_377 = vector.shape_cast %broadcast_in_dim3A_376 : vector<16x1xi32> to vector<16xi32>
      %gather3A_378 = tpu.dynamic_gather %add3A_337[%gather3A_377] in [0] : vector<16xf32>, vector<16xi32> -> vector<16xf32>
      %select_n3A_379 = arith.select %eq3A_108, %broadcast_in_dim3A_375, %gather3A_378 : vector<16xi1>, vector<16xf32>
      %le3A = arith.constant 1.000000e-01 : f32
      %le3A_380 = vector.broadcast %le3A : f32 to vector<16xf32>
      %le3A_381 = arith.cmpf ole, %select_n3A_379, %le3A_380 : vector<16xf32>
      %and3A_382 = arith.andi %lt3A, %le3A_381 : vector<16xi1>
      %eq3A_383 = arith.constant 15 : i32
      %eq3A_384 = vector.broadcast %eq3A_383 : i32 to vector<16xi32>
      %eq3A_385 = arith.cmpi eq, %iota3A, %eq3A_384 : vector<16xi32>
      %jit3A_386 = arith.constant 0.000000e+00 : f32
      %broadcast_in_dim3A_387 = vector.broadcast %jit3A_386 : f32 to vector<16xf32>
      %select_n3A_388 = arith.select %eq3A_385, %add3A_337, %broadcast_in_dim3A_387 : vector<16xi1>, vector<16xf32>
      %reduce_sum3A_389 = arith.constant true
      %reduce_sum3A_390 = vector.broadcast %reduce_sum3A_389 : i1 to vector<16xi1>
      %reduce_sum3A_391 = tpu.scan <sum>, %select_n3A_388 masked %reduce_sum3A_390 : vector<16xf32>, vector<16xi1> -> vector<16xf32>
      %reduce_sum3A_392 = vector.extract %reduce_sum3A_391[15] : f32 from vector<16xf32>
      %broadcast_in_dim3A_393 = vector.broadcast %reduce_sum3A_392 : f32 to vector<16xf32>
      %broadcast_in_dim3A_394 = vector.shape_cast %and3A_106 : vector<16xi32> to vector<16x1xi32>
      %gather3A_395 = vector.shape_cast %broadcast_in_dim3A_394 : vector<16x1xi32> to vector<16xi32>
      %gather3A_396 = tpu.dynamic_gather %add3A_348[%gather3A_395] in [0] : vector<16xf32>, vector<16xi32> -> vector<16xf32>
      %select_n3A_397 = arith.select %eq3A_108, %broadcast_in_dim3A_393, %gather3A_396 : vector<16xi1>, vector<16xf32>
      %le3A_398 = arith.constant 1.000000e-01 : f32
      %le3A_399 = vector.broadcast %le3A_398 : f32 to vector<16xf32>
      %le3A_400 = arith.cmpf ole, %select_n3A_397, %le3A_399 : vector<16xf32>
      %and3A_401 = arith.andi %lt3A_167, %le3A_400 : vector<16xi1>
      %eq3A_402 = arith.constant 15 : i32
      %eq3A_403 = vector.broadcast %eq3A_402 : i32 to vector<16xi32>
      %eq3A_404 = arith.cmpi eq, %iota3A, %eq3A_403 : vector<16xi32>
      %jit3A_405 = arith.constant 0.000000e+00 : f32
      %broadcast_in_dim3A_406 = vector.broadcast %jit3A_405 : f32 to vector<16xf32>
      %select_n3A_407 = arith.select %eq3A_404, %add3A_348, %broadcast_in_dim3A_406 : vector<16xi1>, vector<16xf32>
      %reduce_sum3A_408 = arith.constant true
      %reduce_sum3A_409 = vector.broadcast %reduce_sum3A_408 : i1 to vector<16xi1>
      %reduce_sum3A_410 = tpu.scan <sum>, %select_n3A_407 masked %reduce_sum3A_409 : vector<16xf32>, vector<16xi1> -> vector<16xf32>
      %reduce_sum3A_411 = vector.extract %reduce_sum3A_410[15] : f32 from vector<16xf32>
      %broadcast_in_dim3A_412 = vector.broadcast %reduce_sum3A_411 : f32 to vector<16xf32>
      %broadcast_in_dim3A_413 = vector.shape_cast %and3A_106 : vector<16xi32> to vector<16x1xi32>
      %gather3A_414 = vector.shape_cast %broadcast_in_dim3A_413 : vector<16x1xi32> to vector<16xi32>
      %gather3A_415 = tpu.dynamic_gather %add3A_358[%gather3A_414] in [0] : vector<16xf32>, vector<16xi32> -> vector<16xf32>
      %select_n3A_416 = arith.select %eq3A_108, %broadcast_in_dim3A_412, %gather3A_415 : vector<16xi1>, vector<16xf32>
      %le3A_417 = arith.constant 1.000000e-01 : f32
      %le3A_418 = vector.broadcast %le3A_417 : f32 to vector<16xf32>
      %le3A_419 = arith.cmpf ole, %select_n3A_416, %le3A_418 : vector<16xf32>
      %and3A_420 = arith.andi %lt3A_207, %le3A_419 : vector<16xi1>
      %eq3A_421 = arith.constant 15 : i32
      %eq3A_422 = vector.broadcast %eq3A_421 : i32 to vector<16xi32>
      %eq3A_423 = arith.cmpi eq, %iota3A, %eq3A_422 : vector<16xi32>
      %jit3A_424 = arith.constant 0.000000e+00 : f32
      %broadcast_in_dim3A_425 = vector.broadcast %jit3A_424 : f32 to vector<16xf32>
      %select_n3A_426 = arith.select %eq3A_423, %add3A_358, %broadcast_in_dim3A_425 : vector<16xi1>, vector<16xf32>
      %reduce_sum3A_427 = arith.constant true
      %reduce_sum3A_428 = vector.broadcast %reduce_sum3A_427 : i1 to vector<16xi1>
      %reduce_sum3A_429 = tpu.scan <sum>, %select_n3A_426 masked %reduce_sum3A_428 : vector<16xf32>, vector<16xi1> -> vector<16xf32>
      %reduce_sum3A_430 = vector.extract %reduce_sum3A_429[15] : f32 from vector<16xf32>
      %broadcast_in_dim3A_431 = vector.broadcast %reduce_sum3A_430 : f32 to vector<16xf32>
      %broadcast_in_dim3A_432 = vector.shape_cast %and3A_106 : vector<16xi32> to vector<16x1xi32>
      %gather3A_433 = vector.shape_cast %broadcast_in_dim3A_432 : vector<16x1xi32> to vector<16xi32>
      %gather3A_434 = tpu.dynamic_gather %add3A_368[%gather3A_433] in [0] : vector<16xf32>, vector<16xi32> -> vector<16xf32>
      %select_n3A_435 = arith.select %eq3A_108, %broadcast_in_dim3A_431, %gather3A_434 : vector<16xi1>, vector<16xf32>
      %le3A_436 = arith.constant 1.000000e-01 : f32
      %le3A_437 = vector.broadcast %le3A_436 : f32 to vector<16xf32>
      %le3A_438 = arith.cmpf ole, %select_n3A_435, %le3A_437 : vector<16xf32>
      %and3A_439 = arith.andi %lt3A_247, %le3A_438 : vector<16xi1>
      %eq3A_440 = arith.constant 15 : i32
      %eq3A_441 = vector.broadcast %eq3A_440 : i32 to vector<16xi32>
      %eq3A_442 = arith.cmpi eq, %iota3A, %eq3A_441 : vector<16xi32>
      %jit3A_443 = arith.constant 0.000000e+00 : f32
      %broadcast_in_dim3A_444 = vector.broadcast %jit3A_443 : f32 to vector<16xf32>
      %select_n3A_445 = arith.select %eq3A_442, %add3A_368, %broadcast_in_dim3A_444 : vector<16xi1>, vector<16xf32>
      %reduce_sum3A_446 = arith.constant true
      %reduce_sum3A_447 = vector.broadcast %reduce_sum3A_446 : i1 to vector<16xi1>
      %reduce_sum3A_448 = tpu.scan <sum>, %select_n3A_445 masked %reduce_sum3A_447 : vector<16xf32>, vector<16xi1> -> vector<16xf32>
      %reduce_sum3A_449 = vector.extract %reduce_sum3A_448[15] : f32 from vector<16xf32>
      %jit3A_450 = arith.constant 0.000000e+00 : f32
      %broadcast_in_dim3A_451 = vector.broadcast %jit3A_450 : f32 to vector<16xf32>
      %select_n3A_452 = arith.select %and3A_382, %div3A_326, %broadcast_in_dim3A_451 : vector<16xi1>, vector<16xf32>
      %reduce_sum3A_453 = arith.constant true
      %reduce_sum3A_454 = vector.broadcast %reduce_sum3A_453 : i1 to vector<16xi1>
      %reduce_sum3A_455 = tpu.scan <sum>, %select_n3A_452 masked %reduce_sum3A_454 : vector<16xf32>, vector<16xi1> -> vector<16xf32>
      %reduce_sum3A_456 = vector.extract %reduce_sum3A_455[15] : f32 from vector<16xf32>
      %add3A_457 = arith.constant 0.000000e+00 : f32
      %add3A_458 = arith.addf %add3A_457, %reduce_sum3A_456 : f32
      %jit3A_459 = arith.constant 0.000000e+00 : f32
      %broadcast_in_dim3A_460 = vector.broadcast %jit3A_459 : f32 to vector<16xf32>
      %select_n3A_461 = arith.select %and3A_401, %div3A_328, %broadcast_in_dim3A_460 : vector<16xi1>, vector<16xf32>
      %reduce_sum3A_462 = arith.constant true
      %reduce_sum3A_463 = vector.broadcast %reduce_sum3A_462 : i1 to vector<16xi1>
      %reduce_sum3A_464 = tpu.scan <sum>, %select_n3A_461 masked %reduce_sum3A_463 : vector<16xf32>, vector<16xi1> -> vector<16xf32>
      %reduce_sum3A_465 = vector.extract %reduce_sum3A_464[15] : f32 from vector<16xf32>
      %add3A_466 = arith.addf %add3A_458, %reduce_sum3A_465 : f32
      %jit3A_467 = arith.constant 0.000000e+00 : f32
      %broadcast_in_dim3A_468 = vector.broadcast %jit3A_467 : f32 to vector<16xf32>
      %select_n3A_469 = arith.select %and3A_420, %div3A_330, %broadcast_in_dim3A_468 : vector<16xi1>, vector<16xf32>
      %reduce_sum3A_470 = arith.constant true
      %reduce_sum3A_471 = vector.broadcast %reduce_sum3A_470 : i1 to vector<16xi1>
      %reduce_sum3A_472 = tpu.scan <sum>, %select_n3A_469 masked %reduce_sum3A_471 : vector<16xf32>, vector<16xi1> -> vector<16xf32>
      %reduce_sum3A_473 = vector.extract %reduce_sum3A_472[15] : f32 from vector<16xf32>
      %add3A_474 = arith.addf %add3A_466, %reduce_sum3A_473 : f32
      %jit3A_475 = arith.constant 0.000000e+00 : f32
      %broadcast_in_dim3A_476 = vector.broadcast %jit3A_475 : f32 to vector<16xf32>
      %select_n3A_477 = arith.select %and3A_439, %div3A_332, %broadcast_in_dim3A_476 : vector<16xi1>, vector<16xf32>
      %reduce_sum3A_478 = arith.constant true
      %reduce_sum3A_479 = vector.broadcast %reduce_sum3A_478 : i1 to vector<16xi1>
      %reduce_sum3A_480 = tpu.scan <sum>, %select_n3A_477 masked %reduce_sum3A_479 : vector<16xf32>, vector<16xi1> -> vector<16xf32>
      %reduce_sum3A_481 = vector.extract %reduce_sum3A_480[15] : f32 from vector<16xf32>
      %add3A_482 = arith.addf %add3A_474, %reduce_sum3A_481 : f32
      %div3A_483 = vector.broadcast %add3A_482 : f32 to vector<16xf32>
      %div3A_484 = arith.divf %div3A_326, %div3A_483 : vector<16xf32>
      %jit3A_485 = arith.constant 0.000000e+00 : f32
      %broadcast_in_dim3A_486 = vector.broadcast %jit3A_485 : f32 to vector<16xf32>
      %select_n3A_487 = arith.select %and3A_382, %div3A_484, %broadcast_in_dim3A_486 : vector<16xi1>, vector<16xf32>
      %swap3A = arith.constant 0 : index
      %swap3A_488 = tpu.vector_load %arg8[%swap3A] {strides = array<i32>} : memref<12800xf32, #tpu.memory_space<vmem>>, vector<16xf32>,
      tpu.vector_store %arg8[%swap3A], %select_n3A_487 {strides = array<i32>} : memref<12800xf32, #tpu.memory_space<vmem>>, vector<16xf32>,
      %div3A_489 = vector.broadcast %add3A_482 : f32 to vector<16xf32>
      %div3A_490 = arith.divf %div3A_328, %div3A_489 : vector<16xf32>
      %jit3A_491 = arith.constant 0.000000e+00 : f32
      %broadcast_in_dim3A_492 = vector.broadcast %jit3A_491 : f32 to vector<16xf32>
      %select_n3A_493 = arith.select %and3A_401, %div3A_490, %broadcast_in_dim3A_492 : vector<16xi1>, vector<16xf32>
      %swap3A_494 = arith.constant 16 : index
      %swap3A_495 = tpu.vector_load %arg8[%swap3A_494] {strides = array<i32>} : memref<12800xf32, #tpu.memory_space<vmem>>, vector<16xf32>,
      tpu.vector_store %arg8[%swap3A_494], %select_n3A_493 {strides = array<i32>} : memref<12800xf32, #tpu.memory_space<vmem>>, vector<16xf32>,
      %div3A_496 = vector.broadcast %add3A_482 : f32 to vector<16xf32>
      %div3A_497 = arith.divf %div3A_330, %div3A_496 : vector<16xf32>
      %jit3A_498 = arith.constant 0.000000e+00 : f32
      %broadcast_in_dim3A_499 = vector.broadcast %jit3A_498 : f32 to vector<16xf32>
      %select_n3A_500 = arith.select %and3A_420, %div3A_497, %broadcast_in_dim3A_499 : vector<16xi1>, vector<16xf32>
      %swap3A_501 = arith.constant 32 : index
      %swap3A_502 = tpu.vector_load %arg8[%swap3A_501] {strides = array<i32>} : memref<12800xf32, #tpu.memory_space<vmem>>, vector<16xf32>,
      tpu.vector_store %arg8[%swap3A_501], %select_n3A_500 {strides = array<i32>} : memref<12800xf32, #tpu.memory_space<vmem>>, vector<16xf32>,
      %div3A_503 = vector.broadcast %add3A_482 : f32 to vector<16xf32>
      %div3A_504 = arith.divf %div3A_332, %div3A_503 : vector<16xf32>
      %jit3A_505 = arith.constant 0.000000e+00 : f32
      %broadcast_in_dim3A_506 = vector.broadcast %jit3A_505 : f32 to vector<16xf32>
      %select_n3A_507 = arith.select %and3A_439, %div3A_504, %broadcast_in_dim3A_506 : vector<16xi1>, vector<16xf32>
      %swap3A_508 = arith.constant 48 : index
      %swap3A_509 = tpu.vector_load %arg8[%swap3A_508] {strides = array<i32>} : memref<12800xf32, #tpu.memory_space<vmem>>, vector<16xf32>,
      tpu.vector_store %arg8[%swap3A_508], %select_n3A_507 {strides = array<i32>} : memref<12800xf32, #tpu.memory_space<vmem>>, vector<16xf32>,
      %mul3A_510 = arith.constant 100000 : i32
      %mul3A_511 = arith.muli %add3A_19, %mul3A_510 : i32
      "tpu.region"() ({
        %run_scoped3A = tpu.sem_alloc : memref<!tpu.dma_semaphore, #tpu.memory_space<semaphore_mem>>
        %dma_start3A = tpu.memref_slice %arg4[%mul3A_511] : memref<6400000xf32, #tpu.memory_space<hbm>> -> memref<12800xf32, #tpu.memory_space<hbm>>
        %dma_start3A_543 = tpu.memref_slice %arg4[%mul3A_511] : memref<6400000xf32, #tpu.memory_space<hbm>> -> memref<12800xf32, #tpu.memory_space<hbm>>
        tpu.enqueue_dma source(%arg8 : memref<12800xf32, #tpu.memory_space<vmem>>) target(%dma_start3A_543 : memref<12800xf32, #tpu.memory_space<hbm>>) target_semaphore(%run_scoped3A : memref<!tpu.dma_semaphore, #tpu.memory_space<semaphore_mem>>)
        %dma_wait3A = tpu.memref_slice %arg4[%mul3A_511] : memref<6400000xf32, #tpu.memory_space<hbm>> -> memref<12800xf32, #tpu.memory_space<hbm>>
        %dma_wait3A_544 = tpu.memref_slice %arg4[%mul3A_511] : memref<6400000xf32, #tpu.memory_space<hbm>> -> memref<12800xf32, #tpu.memory_space<hbm>>
        tpu.wait_dma2 semaphore(%run_scoped3A : memref<!tpu.dma_semaphore, #tpu.memory_space<semaphore_mem>>) src(%arg8 : memref<12800xf32, #tpu.memory_space<vmem>>) dst(%dma_wait3A_544 : memref<12800xf32, #tpu.memory_space<hbm>>)
        tpu.yield
      }) : () -> ()
      %broadcast_in_dim3A_512 = arith.constant 0.000000e+00 : f32
      %broadcast_in_dim3A_513 = vector.broadcast %broadcast_in_dim3A_512 : f32 to vector<16xf32>
      %swap3A_514 = arith.constant 0 : index
      %swap3A_515 = tpu.vector_load %arg8[%swap3A_514] {strides = array<i32>} : memref<12800xf32, #tpu.memory_space<vmem>>, vector<16xf32>,
      tpu.vector_store %arg8[%swap3A_514], %broadcast_in_dim3A_513 {strides = array<i32>} : memref<12800xf32, #tpu.memory_space<vmem>>, vector<16xf32>,
      %broadcast_in_dim3A_516 = arith.constant 0.000000e+00 : f32
      %broadcast_in_dim3A_517 = vector.broadcast %broadcast_in_dim3A_516 : f32 to vector<16xf32>
      %swap3A_518 = arith.constant 16 : index
      %swap3A_519 = tpu.vector_load %arg8[%swap3A_518] {strides = array<i32>} : memref<12800xf32, #tpu.memory_space<vmem>>, vector<16xf32>,
      tpu.vector_store %arg8[%swap3A_518], %broadcast_in_dim3A_517 {strides = array<i32>} : memref<12800xf32, #tpu.memory_space<vmem>>, vector<16xf32>,
      %broadcast_in_dim3A_520 = arith.constant 0.000000e+00 : f32
      %broadcast_in_dim3A_521 = vector.broadcast %broadcast_in_dim3A_520 : f32 to vector<16xf32>
      %swap3A_522 = arith.constant 32 : index
      %swap3A_523 = tpu.vector_load %arg8[%swap3A_522] {strides = array<i32>} : memref<12800xf32, #tpu.memory_space<vmem>>, vector<16xf32>,
      tpu.vector_store %arg8[%swap3A_522], %broadcast_in_dim3A_521 {strides = array<i32>} : memref<12800xf32, #tpu.memory_space<vmem>>, vector<16xf32>,
      %broadcast_in_dim3A_524 = arith.constant 0.000000e+00 : f32
      %broadcast_in_dim3A_525 = vector.broadcast %broadcast_in_dim3A_524 : f32 to vector<16xf32>
      %swap3A_526 = arith.constant 48 : index
      %swap3A_527 = tpu.vector_load %arg8[%swap3A_526] {strides = array<i32>} : memref<12800xf32, #tpu.memory_space<vmem>>, vector<16xf32>,
      tpu.vector_store %arg8[%swap3A_526], %broadcast_in_dim3A_525 {strides = array<i32>} : memref<12800xf32, #tpu.memory_space<vmem>>, vector<16xf32>,
      %add3A_528 = arith.constant 12800 : i32
      %add3A_529 = arith.addi %mul3A_511, %add3A_528 : i32
      "tpu.region"() ({
        %run_scoped3A = tpu.sem_alloc : memref<!tpu.dma_semaphore, #tpu.memory_space<semaphore_mem>>
        %dma_start3A = arith.constant 0 : i32
        %dma_start3A_543 = tpu.memref_slice %arg8[%dma_start3A] : memref<12800xf32, #tpu.memory_space<vmem>> -> memref<12800xf32, #tpu.memory_space<vmem>>
        %dma_start3A_544 = tpu.memref_slice %arg4[%add3A_529] : memref<6400000xf32, #tpu.memory_space<hbm>> -> memref<12800xf32, #tpu.memory_space<hbm>>
        %dma_start3A_545 = tpu.memref_slice %arg4[%add3A_529] : memref<6400000xf32, #tpu.memory_space<hbm>> -> memref<12800xf32, #tpu.memory_space<hbm>>
        %dma_start3A_546 = arith.constant 0 : i32
        %dma_start3A_547 = tpu.memref_slice %arg8[%dma_start3A_546] : memref<12800xf32, #tpu.memory_space<vmem>> -> memref<12800xf32, #tpu.memory_space<vmem>>
        tpu.enqueue_dma source(%dma_start3A_547 : memref<12800xf32, #tpu.memory_space<vmem>>) target(%dma_start3A_545 : memref<12800xf32, #tpu.memory_space<hbm>>) target_semaphore(%run_scoped3A : memref<!tpu.dma_semaphore, #tpu.memory_space<semaphore_mem>>)
        %dma_wait3A = arith.constant 0 : i32
        %dma_wait3A_548 = tpu.memref_slice %arg8[%dma_wait3A] : memref<12800xf32, #tpu.memory_space<vmem>> -> memref<12800xf32, #tpu.memory_space<vmem>>
        %dma_wait3A_549 = tpu.memref_slice %arg4[%add3A_529] : memref<6400000xf32, #tpu.memory_space<hbm>> -> memref<12800xf32, #tpu.memory_space<hbm>>
        %dma_wait3A_550 = tpu.memref_slice %arg4[%add3A_529] : memref<6400000xf32, #tpu.memory_space<hbm>> -> memref<12800xf32, #tpu.memory_space<hbm>>
        %dma_wait3A_551 = arith.constant 0 : i32
        %dma_wait3A_552 = tpu.memref_slice %arg8[%dma_wait3A_551] : memref<12800xf32, #tpu.memory_space<vmem>> -> memref<12800xf32, #tpu.memory_space<vmem>>
        tpu.wait_dma2 semaphore(%run_scoped3A : memref<!tpu.dma_semaphore, #tpu.memory_space<semaphore_mem>>) src(%dma_wait3A_552 : memref<12800xf32, #tpu.memory_space<vmem>>) dst(%dma_wait3A_550 : memref<12800xf32, #tpu.memory_space<hbm>>)
        tpu.yield
      }) : () -> ()
      %add3A_530 = arith.constant 25600 : i32
      %add3A_531 = arith.addi %mul3A_511, %add3A_530 : i32
      "tpu.region"() ({
        %run_scoped3A = tpu.sem_alloc : memref<!tpu.dma_semaphore, #tpu.memory_space<semaphore_mem>>
        %dma_start3A = arith.constant 0 : i32
        %dma_start3A_543 = tpu.memref_slice %arg8[%dma_start3A] : memref<12800xf32, #tpu.memory_space<vmem>> -> memref<12800xf32, #tpu.memory_space<vmem>>
        %dma_start3A_544 = tpu.memref_slice %arg4[%add3A_531] : memref<6400000xf32, #tpu.memory_space<hbm>> -> memref<12800xf32, #tpu.memory_space<hbm>>
        %dma_start3A_545 = tpu.memref_slice %arg4[%add3A_531] : memref<6400000xf32, #tpu.memory_space<hbm>> -> memref<12800xf32, #tpu.memory_space<hbm>>
        %dma_start3A_546 = arith.constant 0 : i32
        %dma_start3A_547 = tpu.memref_slice %arg8[%dma_start3A_546] : memref<12800xf32, #tpu.memory_space<vmem>> -> memref<12800xf32, #tpu.memory_space<vmem>>
        tpu.enqueue_dma source(%dma_start3A_547 : memref<12800xf32, #tpu.memory_space<vmem>>) target(%dma_start3A_545 : memref<12800xf32, #tpu.memory_space<hbm>>) target_semaphore(%run_scoped3A : memref<!tpu.dma_semaphore, #tpu.memory_space<semaphore_mem>>)
        %dma_wait3A = arith.constant 0 : i32
        %dma_wait3A_548 = tpu.memref_slice %arg8[%dma_wait3A] : memref<12800xf32, #tpu.memory_space<vmem>> -> memref<12800xf32, #tpu.memory_space<vmem>>
        %dma_wait3A_549 = tpu.memref_slice %arg4[%add3A_531] : memref<6400000xf32, #tpu.memory_space<hbm>> -> memref<12800xf32, #tpu.memory_space<hbm>>
        %dma_wait3A_550 = tpu.memref_slice %arg4[%add3A_531] : memref<6400000xf32, #tpu.memory_space<hbm>> -> memref<12800xf32, #tpu.memory_space<hbm>>
        %dma_wait3A_551 = arith.constant 0 : i32
        %dma_wait3A_552 = tpu.memref_slice %arg8[%dma_wait3A_551] : memref<12800xf32, #tpu.memory_space<vmem>> -> memref<12800xf32, #tpu.memory_space<vmem>>
        tpu.wait_dma2 semaphore(%run_scoped3A : memref<!tpu.dma_semaphore, #tpu.memory_space<semaphore_mem>>) src(%dma_wait3A_552 : memref<12800xf32, #tpu.memory_space<vmem>>) dst(%dma_wait3A_550 : memref<12800xf32, #tpu.memory_space<hbm>>)
        tpu.yield
      }) : () -> ()
      %add3A_532 = arith.constant 38400 : i32
      %add3A_533 = arith.addi %mul3A_511, %add3A_532 : i32
      "tpu.region"() ({
        %run_scoped3A = tpu.sem_alloc : memref<!tpu.dma_semaphore, #tpu.memory_space<semaphore_mem>>
        %dma_start3A = arith.constant 0 : i32
        %dma_start3A_543 = tpu.memref_slice %arg8[%dma_start3A] : memref<12800xf32, #tpu.memory_space<vmem>> -> memref<12800xf32, #tpu.memory_space<vmem>>
        %dma_start3A_544 = tpu.memref_slice %arg4[%add3A_533] : memref<6400000xf32, #tpu.memory_space<hbm>> -> memref<12800xf32, #tpu.memory_space<hbm>>
        %dma_start3A_545 = tpu.memref_slice %arg4[%add3A_533] : memref<6400000xf32, #tpu.memory_space<hbm>> -> memref<12800xf32, #tpu.memory_space<hbm>>
        %dma_start3A_546 = arith.constant 0 : i32
        %dma_start3A_547 = tpu.memref_slice %arg8[%dma_start3A_546] : memref<12800xf32, #tpu.memory_space<vmem>> -> memref<12800xf32, #tpu.memory_space<vmem>>
        tpu.enqueue_dma source(%dma_start3A_547 : memref<12800xf32, #tpu.memory_space<vmem>>) target(%dma_start3A_545 : memref<12800xf32, #tpu.memory_space<hbm>>) target_semaphore(%run_scoped3A : memref<!tpu.dma_semaphore, #tpu.memory_space<semaphore_mem>>)
        %dma_wait3A = arith.constant 0 : i32
        %dma_wait3A_548 = tpu.memref_slice %arg8[%dma_wait3A] : memref<12800xf32, #tpu.memory_space<vmem>> -> memref<12800xf32, #tpu.memory_space<vmem>>
        %dma_wait3A_549 = tpu.memref_slice %arg4[%add3A_533] : memref<6400000xf32, #tpu.memory_space<hbm>> -> memref<12800xf32, #tpu.memory_space<hbm>>
        %dma_wait3A_550 = tpu.memref_slice %arg4[%add3A_533] : memref<6400000xf32, #tpu.memory_space<hbm>> -> memref<12800xf32, #tpu.memory_space<hbm>>
        %dma_wait3A_551 = arith.constant 0 : i32
        %dma_wait3A_552 = tpu.memref_slice %arg8[%dma_wait3A_551] : memref<12800xf32, #tpu.memory_space<vmem>> -> memref<12800xf32, #tpu.memory_space<vmem>>
        tpu.wait_dma2 semaphore(%run_scoped3A : memref<!tpu.dma_semaphore, #tpu.memory_space<semaphore_mem>>) src(%dma_wait3A_552 : memref<12800xf32, #tpu.memory_space<vmem>>) dst(%dma_wait3A_550 : memref<12800xf32, #tpu.memory_space<hbm>>)
        tpu.yield
      }) : () -> ()
      %add3A_534 = arith.constant 51200 : i32
      %add3A_535 = arith.addi %mul3A_511, %add3A_534 : i32
      "tpu.region"() ({
        %run_scoped3A = tpu.sem_alloc : memref<!tpu.dma_semaphore, #tpu.memory_space<semaphore_mem>>
        %dma_start3A = arith.constant 0 : i32
        %dma_start3A_543 = tpu.memref_slice %arg8[%dma_start3A] : memref<12800xf32, #tpu.memory_space<vmem>> -> memref<12800xf32, #tpu.memory_space<vmem>>
        %dma_start3A_544 = tpu.memref_slice %arg4[%add3A_535] : memref<6400000xf32, #tpu.memory_space<hbm>> -> memref<12800xf32, #tpu.memory_space<hbm>>
        %dma_start3A_545 = tpu.memref_slice %arg4[%add3A_535] : memref<6400000xf32, #tpu.memory_space<hbm>> -> memref<12800xf32, #tpu.memory_space<hbm>>
        %dma_start3A_546 = arith.constant 0 : i32
        %dma_start3A_547 = tpu.memref_slice %arg8[%dma_start3A_546] : memref<12800xf32, #tpu.memory_space<vmem>> -> memref<12800xf32, #tpu.memory_space<vmem>>
        tpu.enqueue_dma source(%dma_start3A_547 : memref<12800xf32, #tpu.memory_space<vmem>>) target(%dma_start3A_545 : memref<12800xf32, #tpu.memory_space<hbm>>) target_semaphore(%run_scoped3A : memref<!tpu.dma_semaphore, #tpu.memory_space<semaphore_mem>>)
        %dma_wait3A = arith.constant 0 : i32
        %dma_wait3A_548 = tpu.memref_slice %arg8[%dma_wait3A] : memref<12800xf32, #tpu.memory_space<vmem>> -> memref<12800xf32, #tpu.memory_space<vmem>>
        %dma_wait3A_549 = tpu.memref_slice %arg4[%add3A_535] : memref<6400000xf32, #tpu.memory_space<hbm>> -> memref<12800xf32, #tpu.memory_space<hbm>>
        %dma_wait3A_550 = tpu.memref_slice %arg4[%add3A_535] : memref<6400000xf32, #tpu.memory_space<hbm>> -> memref<12800xf32, #tpu.memory_space<hbm>>
        %dma_wait3A_551 = arith.constant 0 : i32
        %dma_wait3A_552 = tpu.memref_slice %arg8[%dma_wait3A_551] : memref<12800xf32, #tpu.memory_space<vmem>> -> memref<12800xf32, #tpu.memory_space<vmem>>
        tpu.wait_dma2 semaphore(%run_scoped3A : memref<!tpu.dma_semaphore, #tpu.memory_space<semaphore_mem>>) src(%dma_wait3A_552 : memref<12800xf32, #tpu.memory_space<vmem>>) dst(%dma_wait3A_550 : memref<12800xf32, #tpu.memory_space<hbm>>)
        tpu.yield
      }) : () -> ()
      %add3A_536 = arith.constant 64000 : i32
      %add3A_537 = arith.addi %mul3A_511, %add3A_536 : i32
      "tpu.region"() ({
        %run_scoped3A = tpu.sem_alloc : memref<!tpu.dma_semaphore, #tpu.memory_space<semaphore_mem>>
        %dma_start3A = arith.constant 0 : i32
        %dma_start3A_543 = tpu.memref_slice %arg8[%dma_start3A] : memref<12800xf32, #tpu.memory_space<vmem>> -> memref<12800xf32, #tpu.memory_space<vmem>>
        %dma_start3A_544 = tpu.memref_slice %arg4[%add3A_537] : memref<6400000xf32, #tpu.memory_space<hbm>> -> memref<12800xf32, #tpu.memory_space<hbm>>
        %dma_start3A_545 = tpu.memref_slice %arg4[%add3A_537] : memref<6400000xf32, #tpu.memory_space<hbm>> -> memref<12800xf32, #tpu.memory_space<hbm>>
        %dma_start3A_546 = arith.constant 0 : i32
        %dma_start3A_547 = tpu.memref_slice %arg8[%dma_start3A_546] : memref<12800xf32, #tpu.memory_space<vmem>> -> memref<12800xf32, #tpu.memory_space<vmem>>
        tpu.enqueue_dma source(%dma_start3A_547 : memref<12800xf32, #tpu.memory_space<vmem>>) target(%dma_start3A_545 : memref<12800xf32, #tpu.memory_space<hbm>>) target_semaphore(%run_scoped3A : memref<!tpu.dma_semaphore, #tpu.memory_space<semaphore_mem>>)
        %dma_wait3A = arith.constant 0 : i32
        %dma_wait3A_548 = tpu.memref_slice %arg8[%dma_wait3A] : memref<12800xf32, #tpu.memory_space<vmem>> -> memref<12800xf32, #tpu.memory_space<vmem>>
        %dma_wait3A_549 = tpu.memref_slice %arg4[%add3A_537] : memref<6400000xf32, #tpu.memory_space<hbm>> -> memref<12800xf32, #tpu.memory_space<hbm>>
        %dma_wait3A_550 = tpu.memref_slice %arg4[%add3A_537] : memref<6400000xf32, #tpu.memory_space<hbm>> -> memref<12800xf32, #tpu.memory_space<hbm>>
        %dma_wait3A_551 = arith.constant 0 : i32
        %dma_wait3A_552 = tpu.memref_slice %arg8[%dma_wait3A_551] : memref<12800xf32, #tpu.memory_space<vmem>> -> memref<12800xf32, #tpu.memory_space<vmem>>
        tpu.wait_dma2 semaphore(%run_scoped3A : memref<!tpu.dma_semaphore, #tpu.memory_space<semaphore_mem>>) src(%dma_wait3A_552 : memref<12800xf32, #tpu.memory_space<vmem>>) dst(%dma_wait3A_550 : memref<12800xf32, #tpu.memory_space<hbm>>)
        tpu.yield
      }) : () -> ()
      %add3A_538 = arith.constant 76800 : i32
      %add3A_539 = arith.addi %mul3A_511, %add3A_538 : i32
      "tpu.region"() ({
        %run_scoped3A = tpu.sem_alloc : memref<!tpu.dma_semaphore, #tpu.memory_space<semaphore_mem>>
        %dma_start3A = arith.constant 0 : i32
        %dma_start3A_543 = tpu.memref_slice %arg8[%dma_start3A] : memref<12800xf32, #tpu.memory_space<vmem>> -> memref<12800xf32, #tpu.memory_space<vmem>>
        %dma_start3A_544 = tpu.memref_slice %arg4[%add3A_539] : memref<6400000xf32, #tpu.memory_space<hbm>> -> memref<12800xf32, #tpu.memory_space<hbm>>
        %dma_start3A_545 = tpu.memref_slice %arg4[%add3A_539] : memref<6400000xf32, #tpu.memory_space<hbm>> -> memref<12800xf32, #tpu.memory_space<hbm>>
        %dma_start3A_546 = arith.constant 0 : i32
        %dma_start3A_547 = tpu.memref_slice %arg8[%dma_start3A_546] : memref<12800xf32, #tpu.memory_space<vmem>> -> memref<12800xf32, #tpu.memory_space<vmem>>
        tpu.enqueue_dma source(%dma_start3A_547 : memref<12800xf32, #tpu.memory_space<vmem>>) target(%dma_start3A_545 : memref<12800xf32, #tpu.memory_space<hbm>>) target_semaphore(%run_scoped3A : memref<!tpu.dma_semaphore, #tpu.memory_space<semaphore_mem>>)
        %dma_wait3A = arith.constant 0 : i32
        %dma_wait3A_548 = tpu.memref_slice %arg8[%dma_wait3A] : memref<12800xf32, #tpu.memory_space<vmem>> -> memref<12800xf32, #tpu.memory_space<vmem>>
        %dma_wait3A_549 = tpu.memref_slice %arg4[%add3A_539] : memref<6400000xf32, #tpu.memory_space<hbm>> -> memref<12800xf32, #tpu.memory_space<hbm>>
        %dma_wait3A_550 = tpu.memref_slice %arg4[%add3A_539] : memref<6400000xf32, #tpu.memory_space<hbm>> -> memref<12800xf32, #tpu.memory_space<hbm>>
        %dma_wait3A_551 = arith.constant 0 : i32
        %dma_wait3A_552 = tpu.memref_slice %arg8[%dma_wait3A_551] : memref<12800xf32, #tpu.memory_space<vmem>> -> memref<12800xf32, #tpu.memory_space<vmem>>
        tpu.wait_dma2 semaphore(%run_scoped3A : memref<!tpu.dma_semaphore, #tpu.memory_space<semaphore_mem>>) src(%dma_wait3A_552 : memref<12800xf32, #tpu.memory_space<vmem>>) dst(%dma_wait3A_550 : memref<12800xf32, #tpu.memory_space<hbm>>)
        tpu.yield
      }) : () -> ()
      %add3A_540 = arith.constant 89600 : i32
      %add3A_541 = arith.addi %mul3A_511, %add3A_540 : i32
      "tpu.region"() ({
        %run_scoped3A = tpu.sem_alloc : memref<!tpu.dma_semaphore, #tpu.memory_space<semaphore_mem>>
        %dma_start3A = arith.constant 0 : i32
        %dma_start3A_543 = tpu.memref_slice %arg8[%dma_start3A] : memref<12800xf32, #tpu.memory_space<vmem>> -> memref<10400xf32, #tpu.memory_space<vmem>>
        %dma_start3A_544 = tpu.memref_slice %arg4[%add3A_541] : memref<6400000xf32, #tpu.memory_space<hbm>> -> memref<10400xf32, #tpu.memory_space<hbm>>
        %dma_start3A_545 = tpu.memref_slice %arg4[%add3A_541] : memref<6400000xf32, #tpu.memory_space<hbm>> -> memref<10400xf32, #tpu.memory_space<hbm>>
        %dma_start3A_546 = arith.constant 0 : i32
        %dma_start3A_547 = tpu.memref_slice %arg8[%dma_start3A_546] : memref<12800xf32, #tpu.memory_space<vmem>> -> memref<10400xf32, #tpu.memory_space<vmem>>
        tpu.enqueue_dma source(%dma_start3A_547 : memref<10400xf32, #tpu.memory_space<vmem>>) target(%dma_start3A_545 : memref<10400xf32, #tpu.memory_space<hbm>>) target_semaphore(%run_scoped3A : memref<!tpu.dma_semaphore, #tpu.memory_space<semaphore_mem>>)
        %dma_wait3A = arith.constant 0 : i32
        %dma_wait3A_548 = tpu.memref_slice %arg8[%dma_wait3A] : memref<12800xf32, #tpu.memory_space<vmem>> -> memref<10400xf32, #tpu.memory_space<vmem>>
        %dma_wait3A_549 = tpu.memref_slice %arg4[%add3A_541] : memref<6400000xf32, #tpu.memory_space<hbm>> -> memref<10400xf32, #tpu.memory_space<hbm>>
        %dma_wait3A_550 = tpu.memref_slice %arg4[%add3A_541] : memref<6400000xf32, #tpu.memory_space<hbm>> -> memref<10400xf32, #tpu.memory_space<hbm>>
        %dma_wait3A_551 = arith.constant 0 : i32
        %dma_wait3A_552 = tpu.memref_slice %arg8[%dma_wait3A_551] : memref<12800xf32, #tpu.memory_space<vmem>> -> memref<10400xf32, #tpu.memory_space<vmem>>
        tpu.wait_dma2 semaphore(%run_scoped3A : memref<!tpu.dma_semaphore, #tpu.memory_space<semaphore_mem>>) src(%dma_wait3A_552 : memref<10400xf32, #tpu.memory_space<vmem>>) dst(%dma_wait3A_550 : memref<10400xf32, #tpu.memory_space<hbm>>)
        tpu.yield
      }) : () -> ()
      %scan3A_542 = arith.constant 0 : i32
      scf.yield %scan3A_542 : i32
    }
    %scan3A_14 = arith.constant 2 : i32
    return
  }
}

</mosaic_0001>

<sc_bundles>
// kernel: _sc_call.3.cloned.1.call-start
scs
__scs_entry_jumppad:
0x0: {  	(pc) =	sbr.rel $0x88, $3  }
0x1: {  	(tag) =	ssettag $0x0;
	lr =	simm.s32 $0x1  }
0x2: {  	[smem:$0x3F9F] =	sst lr;
	_ =	strace $0xD0000000  }
0x3: {  	_ = 	snop  }
0x4: {  	_ = 	snop  }
0x5: {  	_ = 	snop  }
0x6: {  	_ = 	snop  }
0x7: {  	_ = 	snop  }
__scs_overlays_trampoline_lowered:
0x8: {  	[smem:$0x3FAE] =	sst s0  }
0x9: {  	[smem:$0x3FAF] =	sst s1  }
0xa: {  	[smem:$0x3FB0] =	sst s2  }
0xb: {  	[smem:$0x3FB1] =	sst s3  }
0xc: {  	[smem:$0x3FB2] =	sst s4  }
0xd: {  	[smem:$0x3FB3] =	sst s5  }
0xe: {  	[smem:$0x3FB4] =	sst s6  }
0xf: {  	[smem:$0x3FB5] =	sst s7  }
0x10: {  	[smem:$0x3FB6] =	sst s8  }
0x11: {  	[smem:$0x3FB7] =	sst s9;
	s0 =	simm.s32 @!p0 $0x0  }
0x12: {  	s1 =	sld [smem:$0x3F9D];
	s0 =	simm.s32 @p0 $0x1  }
0x13: {  	[smem:$0x3FB8] =	sst s0;
	s0 =	simm.s32 @!p1 $0x0  }
0x14: {  	s2 =	sld [smem:$0x3F9C];
	s0 =	simm.s32 @p1 $0x1  }
0x15: {  	[smem:$0x3FB9] =	sst s0;
	s0 =	simm.s32 @!p2 $0x0  }
0x16: {  	s3 =	sld [smem:$0x3FDB];
	s0 =	simm.s32 @p2 $0x1  }
0x17: {  	s4 =	simm.s32 $0x1BF5;
	[smem:$0x3FBB] =	sst s0  }
0x18: {  	s0 =	sld [smem:$0x3F9E];
	_ =	swait.ge [sflag:s4], $0x0  }
0x19: {  	s7 =	sld [smem:$0x3F9F]  }
0x1a: {  	s8 =	sadd.s32 $0xFFFFE003, lr  }
0x1b: {  	s9 =	sadd.s32 $0xFFFFFEF7, lr;
	s5 =	simm.s32 $0xFFFFFFFF;
	p2 =	slt.u32 s8, $0xFFFFF086  }
0x1c: {  	p1 =	slt.u32 s9, $0xF7A;
	s5 =	simm.s32 @!p2 $0x0  }
0x1d: {  	s5 =	simm.s32 @p1 $0x1;
	p0 =	seq.s32 s7, s2  }
0x1e: {  	s7 =	smul.u32 @!p0 $0xF7A, s2;
	p2 =	seq.s32 @!p0 s5, $0x0  }
0x1f: {  	s9 =	smul.u32 $0xF7A, s1;
	s8 =	simm.s32 @!p0 $0x1BF5;
	p2 =	por !p2, p0  }
0x20: {  	[sflag:s8] =	ssyncset.s32 @!p0 $0xFFFFF086;
	s6 =	sadd.s32 @!p0 s3, s7;
	s7 =	simm.s32 @!p0 $0x108  }
0x21: {  	s3 =	sadd.s32 s3, s9;
	s6 =	sadd.s32 @!p0 $0x88, s6;
	s7 =	simm.s32 @p2 $0x1082  }
0x22: {  	[simem:s7], [sflag:s8] =	dma.local @!p0 [hbm:s6], $0xF7A  }
0x23: {  	s9 =	sor.u32 $0xD0000000, s2;
	s6 =	simm.s32 $0x108;
	_ =	swait.ge @!p0 [sflag:s8], $0x0  }
0x24: {  	s3 =	sadd.s32 $0x88, s3;
	s6 =	simm.s32 @!p1 $0x1082;
	[sflag:s4] =	ssyncset.s32 $0xFFFFF086  }
0x25: {  	[simem:s6], [sflag:s4] =	dma.local [hbm:s3], $0xF7A  }
0x26: {  	[smem:$0x3F9F] =	sst s1;
	(tag) =	ssettag s2;
	_ =	strace s9  }
0x27: {  	s1 =	sld [smem:$0x3FAF]  }
0x28: {  	s2 =	sld [smem:$0x3FB0]  }
0x29: {  	s4 =	sld [smem:$0x3FB2]  }
0x2a: {  	p0 =	seq.s32 s5, $0x0;
	s5 =	sld [smem:$0x3FB3]  }
0x2b: {  	s6 =	sld [smem:$0x3FB4]  }
0x2c: {  	s7 =	sld [smem:$0x3FB5]  }
0x2d: {  	s3 =	simm.s32 $0x108;
	s8 =	sld [smem:$0x3FB6]  }
0x2e: {  	s3 =	simm.s32 @!p0 $0x1082;
	s9 =	sld [smem:$0x3FB7]  }
0x2f: {  	lr =	sadd.s32 s0, s3;
	s0 =	sld [smem:$0x3FAE]  }
0x30: {  	s3 =	sld [smem:$0x3FB1]  }
0x31: {  	[smem:$0x3FBA] =	sst s10  }
0x32: {  	s10 =	sld [smem:$0x3FB8];
	_ =	sdelay $0x3  }
0x33: {  	p0 =	seq.s32 s10, $0x1;
	s10 =	sld [smem:$0x3FBA];
	_ =	sdelay $0x3  }
0x34: {  	[smem:$0x3FBA] =	sst s10  }
0x35: {  	s10 =	sld [smem:$0x3FB9];
	_ =	sdelay $0x3  }
0x36: {  	p1 =	seq.s32 s10, $0x1;
	s10 =	sld [smem:$0x3FBA];
	_ =	sdelay $0x3  }
0x37: {  	[smem:$0x3FBA] =	sst s10  }
0x38: {  	s10 =	sld [smem:$0x3FBB]  }
0x39: {  	_ = 	snop;
	(pc) =	sbr.ind lr, $3  }
0x3a: {  	_ = 	snop  }
0x3b: {  	_ = 	snop  }
0x3c: {  	p2 =	seq.s32 s10, $0x1;
	s10 =	sld [smem:$0x3FBA]  }
0x3d: {  	_ =	shalt  }
0x3e: {  	_ =	shalt  }
0x3f: {  	_ =	shalt  }
0x40: {  	_ =	shalt  }
0x41: {  	_ =	shalt  }
0x42: {  	_ =	shalt  }
0x43: {  	_ =	shalt  }
0x44: {  	_ =	shalt  }
0x45: {  	_ =	shalt  }
0x46: {  	_ =	shalt  }
0x47: {  	_ =	shalt  }
0x48: {  	_ =	shalt  }
0x49: {  	_ =	shalt  }
0x4a: {  	_ =	shalt  }
0x4b: {  	_ =	shalt  }
0x4c: {  	_ =	shalt  }
0x4d: {  	_ =	shalt  }
0x4e: {  	_ =	shalt  }
0x4f: {  	_ =	shalt  }
0x50: {  	_ =	shalt  }
0x51: {  	_ =	shalt  }
0x52: {  	_ =	shalt  }
0x53: {  	_ =	shalt  }
0x54: {  	_ =	shalt  }
0x55: {  	_ =	shalt  }
0x56: {  	_ =	shalt  }
0x57: {  	_ =	shalt  }
0x58: {  	_ =	shalt  }
0x59: {  	_ =	shalt  }
0x5a: {  	_ =	shalt  }
0x5b: {  	_ =	shalt  }
0x5c: {  	_ =	shalt  }
0x5d: {  	_ =	shalt  }
0x5e: {  	_ =	shalt  }
0x5f: {  	_ =	shalt  }
0x60: {  	_ =	shalt  }
0x61: {  	_ =	shalt  }
0x62: {  	_ =	shalt  }
0x63: {  	_ =	shalt  }
0x64: {  	_ =	shalt  }
0x65: {  	_ =	shalt  }
0x66: {  	_ =	shalt  }
0x67: {  	_ =	shalt  }
0x68: {  	_ =	shalt  }
0x69: {  	_ =	shalt  }
0x6a: {  	_ =	shalt  }
0x6b: {  	_ =	shalt  }
0x6c: {  	_ =	shalt  }
0x6d: {  	_ =	shalt  }
0x6e: {  	_ =	shalt  }
0x6f: {  	_ =	shalt  }
0x70: {  	_ =	shalt  }
0x71: {  	_ =	shalt  }
0x72: {  	_ =	shalt  }
0x73: {  	_ =	shalt  }
0x74: {  	_ =	shalt  }
0x75: {  	_ =	shalt  }
0x76: {  	_ =	shalt  }
0x77: {  	_ =	shalt  }
0x78: {  	_ =	shalt  }
0x79: {  	_ =	shalt  }
0x7a: {  	_ =	shalt  }
0x7b: {  	_ =	shalt  }
0x7c: {  	_ =	shalt  }
0x7d: {  	_ =	shalt  }
0x7e: {  	_ =	shalt  }
0x7f: {  	_ =	shalt  }
0x80: {  	_ =	shalt  }
0x81: {  	_ =	shalt  }
0x82: {  	_ =	shalt  }
0x83: {  	_ =	shalt  }
0x84: {  	_ =	shalt  }
0x85: {  	_ =	shalt  }
0x86: {  	_ =	shalt  }
0x87: {  	_ =	shalt  }
.Lfunc_end0:
.L_simem_size_0:
called_computation_lowered:
.L_overlay_start_0:
0x88: {  	s2 =	sld [smem:$0x3FD9]  }
0x89: {  	s3 =	sld [smem:$0x3FFE];
	_ =	sdelay $0x1  }
0x8a: {  	s1 =	srdreg.scid  }
0x8b: {  	s0 =	sand.u32 $0x1, s1  }
0x8c: {  	s17 =	sshll.u32 s0, $0xA;
	s2 =	sadd.s32 s3, s2  }
0x8d: {  	s2 =	sadd.s32 s2, s17  }
0x8e: {  	[smem:$0x3FC6] =	sst s2  }
0x8f: {  	_ = 	snop  }
0x90: {  	s2 =	sld [smem:$0x3FC8]  }
0x91: {  	s18 =	sld [smem:$0x3FD0];
	(tm) =	ssettm $0x1  }
0x92: {  	s4 =	sld [smem:$0x3FFB];
	_ =	sdelay $0x3  }
0x93: {  	_ =	strace s4  }
0x94: {  	s4 =	sld [smem:$0x3FFC];
	_ =	sdelay $0x3  }
0x95: {  	_ =	strace s4  }
0x96: {  	s4 =	sld [smem:$0x3FFD];
	_ =	sdelay $0x3  }
0x97: {  	_ =	strace s4  }
0x98: {  	_ =	strace $0x8FFFFFFF  }
0x99: {  	s19 =	sld [smem:$0x3FDB];
	_ =	sdelay $0x1  }
0x9a: {  	s5 =	simm.s32 $_scs_section_size  }
0x9b: {  	s6 =	simm.s32 $_size__tile_overlayer_lowered;
	s7 =	simm.s32 $_tile_overlayer_lowered  }
0x9c: {  	s22 =	simm.s32 $0x1BFF;
	s21 =	sshll.u32 s7, $0x1;
	s4 =	sadd.s32 s5, s19  }
0x9d: {  	s8 =	simm.s32 $0x0;
	s20 =	sshll.u32 s6, $0x1;
	s6 =	sadd.s32 s21, s4  }
0x9e: {  	[timem:s8], [sflag:s22] =	dma.local [hbm:s6], s20  }
0x9f: {  	_ =	swait.ge [sflag:s22], s20  }
0xa0: {  	s5 =	ssub.s32 $0x0, s20;
	[sflag:s22] =	ssyncset.done $0x0  }
0xa1: {  	[sflag:s22] =	ssyncadd.s32 s5;
	_ =	sdelay $0x1  }
0xa2: {  	s23 =	simm.s32 $0x1B8B  }
0xa3: {  	_ =	swait.ge [sflag:s23], $0x1  }
0xa4: {  	[sflag:s23] =	ssyncset.done $0x0  }
0xa5: {  	s25 =	simm.s32 $0x1B8E;
	s24 =	sld [smem:$0x3FFE];
	[sflag:s23] =	ssyncadd.s32 $0xFFFFFFFF  }
0xa6: {  	s26 =	simm.s32 $execute0_lowered;
	[smem:$0x3FD2] =	sst s25  }
0xa7: {  	s6 =	sshll.u32 s26, $0x1;
	_ =	strace $0x80000046;
	[dreg:$0x1] =	wrdreg $0xFFFFFFFF  }
0xa8: {  	s28 =	simm.s32 $_size_execute0_lowered;
	s4 =	sadd.s32 s4, s6;
	[dreg:$0x0] =	wrdreg $0x0  }
0xa9: {  	s6 =	sshll.u32 s28, $0x1;
	[dreg:$0x2] =	wrdreg s4  }
0xaa: {  	[dreg:$0x3] =	wrdreg s6  }
0xab: {  	[dreg:$0x4] =	wrdreg $0xC0  }
0xac: {  	_ =	task [dreg:s8], $0x5FFFF  }
0xad: {  	[dreg:$0x1] =	wrdreg $0xFFFFFFFF  }
0xae: {  	[dreg:$0x0] =	wrdreg $0x60  }
0xaf: {  	[dreg:$0x2] =	wrdreg s18  }
0xb0: {  	[dreg:$0x3] =	wrdreg s2  }
0xb1: {  	[dreg:$0x4] =	wrdreg s24  }
0xb2: {  	[dreg:$0x5] =	wrdreg $0x9  }
0xb3: {  	_ =	task.clear_ibuf [dreg:s8], $0x6FFFF;
	_ =	strace $0x90000046  }
0xb4: {  	s29 =	simm.s32 $0x9;
	_ =	strace $0x80000048  }
0xb5: {  	_ =	swait.ge [sflag:s29], $0x1  }
0xb6: {  	[sflag:s29] =	ssyncadd.s32 $0xFFFFFFFF  }
0xb7: {  	_ =	strace $0x90000048  }
0xb8: {  	_ =	sfence  }
0xb9: {  	s30 =	sld [smem:$0x0];
	_ =	sdelay $0x2  }
0xba: {  	s31 =	sshll.u32 s1, $0xD;
	s1 =	sshrl.u32 s1, $0x2  }
0xbb: {  	s3 =	sand.u32 $0x4000, s31;
	s1 =	sadd.s32 s1, s30  }
0xbc: {  	s0 =	sor.u32 s3, s0;
	s1 =	sshll.u32 s1, $0x11  }
0xbd: {  	s0 =	sor.u32 s1, s0  }
0xbe: {  	s0 =	sadd.s32 $0x8F2B, s0  }
0xbf: {  	[sflag:s0] =	ssyncadd.remote.s32 $0x1  }
0xc0: {  	_ =	sfence.sel $0xFFFF  }
0xc1: {  	[dreg:$0x0] =	wrdreg $0xFFFFFFFF;
	(pc) =	sbr.abs _section_cstart, $3  }
0xc2: {  	[dreg:$0x1] =	wrdreg $0xFFFFFFFF  }
0xc3: {  	_ =	task.clear_ibuf [dreg:s8], $0x2FFFF;
	_ =	strace $0x9FFFFFFF  }
0xc4: {  	(tm) =	ssettm $0x7FFFFFFF  }
0xc5: {  	_ =	shalt  }
tec
execute0_lowered:
.L_overlay_start_1:
0x0: {  	(tag) =	ssettag $0x1  }
0x1: {  	s1 =	rddreg [dreg:$0x0]  }
0x2: {  	s2 =	rddreg [dreg:$0x1]  }
0x3: {  	s5 =	rddreg [dreg:$0x2];
	s3 =	simm.s32 $0x0  }
0x4: {  	[smem:$0x7FF] =	sst s3  }
0x5: {  	s0 =	rddreg [dreg:$0x3];
	v0 =	vimm.f32 $-3.000000010e+38;
	_ =	strace $0x80000047  }
0x6: {  	v1 =	vimm.s32 $0xEDCBA987;
	v2 =	vimm.s32 $0x6543210F;
	(xrf0) =	vmax.scan.msk.f32 $0xffff, v0  }
0x7: {  	v1 =	vunpack.c.l.s4.s8 v1;
	v2 =	vunpack.c.l.s4.s8 v2  }
0x8: {  	s4 =	srdreg.scid;
	v4 =	vimm.s32 $0x1;
	s9 =	simm.s32 $0x1;
	s10 =	simm.s32 $0x18700  }
.Ltmp0:
0x9: {  	v5 =	vlaneseq.u32;
	s11 =	simm.s32 $0x1A700;
	s6 =	sand.u32 $0x1, s4;
	v3 =	vunpack.c.0.s8.s32 v1;
	v2 =	vunpack.c.0.s8.s32 v2;
	(pc) =	sbr.rel .LBB2_1-.Ltmp0, $4  }
0xa: {  	vm0 =	vmxor vm0, vm0;
	vm1 =	vmmov $0x7fff;
	vm2 =	vmmov $0x1;
	s12 =	simm.s32 $0x1A900;
	s13 =	simm.s32 $0x0;
	s7 =	ssub.s32 $0x2, s6  }
0xb: {  	s4 =	stileid.u32;
	s5 =	sadd.s32 $0x400, s5;
	v7 =	vor.u32 $0x80000000, v5;
	v8 =	vor.u32 $0x80000010, v5;
	s8 =	sshrl.u32 s7, $0x1;
	v6 =	vcombine.low v2, v3  }
0xc: {  	v9 =	vor.u32 $0x80000020, v5;
	v10 =	vor.u32 $0x80000030, v5;
	s31 =	sshll.u32 s4, $0x2;
	s6 =	sshll.u32 s6, $0x1;
	s7 =	ssub.s32 s7, s8;
	v2 =	vimm.f32 $0.0e+00;
	v1, _, _ =	vpop (xrf0)  }
0xd: {  	s6 =	sor.u32 s6, s31;
	s8 =	simm.s32 $0x1DB00;
	v3 =	vimm.s32 $0x0;
	s7 =	smax.u32 s7, $0x1;
	v6 =	vand.u32 $0xF, v6;
	v1 =	vbroadcast v1, $0xF  }
.LBB2_21:
0xe: {  	s13 =	sadd.s32 $0x1, s13  }
0xf: {  	p0 =	sne.s32 s13, s7  }
.Ltmp1:
0x10: {  	_ = 	snop;
	(pc) =	sbr.rel @!p0 .LBB2_22-.Ltmp1, $1  }
0x11: {  	_ =	sdelay $0x3  }
.LBB2_1:
0x12: {  	[tilespmem:s8], [sflag:$0x1] =	stream.linear.gather [hbm4b:s2+s3], $0x80, $0x38;
	[tilespmem:$0x1DB80] =	vst v63  }
0x13: {  	_ =	swait.ge [sflag:s9], $0x80  }
0x14: {  	[sflag:s9] =	ssyncset.done $0x0  }
0x15: {  	[sflag:s9] =	ssyncadd.s32 $0xFFFFFF80  }
0x16: {  	v11 =	vld [tilespmem:$0x1DB00];
	_ =	sdelay $0x1  }
0x17: {  	s14 =	simm.s32 $0x0  }
.LBB2_2:
0x18: {  	p0 =	sne.s32 s14, $0xC7C0  }
.Ltmp2:
0x19: {  	_ = 	snop;
	(pc) =	sbr.rel @p0 .LBB2_2-.Ltmp2, $3  }
0x1a: {  	_ =	sdelay $0x1  }
0x1b: {  	s15 =	sshra.s32 s14, $0x2  }
0x1c: {  	s14 =	sadd.s32 $0x40, s14;
	[tilespmem:s15+$0x1A900] =	vst v2  }
.Ltmp3:
0x1d: {  	(pc) =	sbr.rel .LBB2_4-.Ltmp3, $2  }
0x1e: {  	_ =	sdelay $0x2  }
0x1f: {  	s14 =	simm.s32 $0x0;
	p1 =	por $0x1, $0x1;
	s15 =	simm.s32 $0x0  }
.LBB2_20:
0x20: {  	v16 =	vperm.xlane v15, v6  }
0x21: {  	vm3 =	veq.s32 v5, $0x0  }
0x22: {  	v16 =	vsel vm3, $0x7F61B1E6, v16  }
0x23: {  	vm4 =	vlt.f32 v15, v16;
	vm5 =	vgt.f32 v15, v16  }
0x24: {  	vm4 =	vmor vm5, vm4  }
0x25: {  	v50 =	vnsel vm4, $0x7FFFFFFF, v7  }
0x26: {  	(xrf0) =	vmax.scan.msk.u32 $0xffff, v50;
	_ =	sdelay $0x5  }
0x27: {  	v16, _, _ =	vpop (xrf0)  }
0x28: {  	v16 =	vxor.u32 $0x80000000, v16  }
0x29: {  	v17 =	vshra.s32 v16, $0x1F  }
0x2a: {  	v51 =	vsel vm1, $0x0, v15;
	v16 =	vor.u32 v17, v16  }
0x2b: {  	(xrf2) =	vadd.scan.msk.f32 $0xffff, v51;
	v52 =	vxor.u32 $0x80000000, v16  }
0x2c: {  	(xrf0) =	vmax.scan.msk.u32 $0xffff, v52;
	_ =	sdelay $0x5  }
0x2d: {  	v17, _, _ =	vpop (xrf0)  }
0x2e: {  	(v2sf) =	vpush v17, $0xF;
	_ =	sdelay $0x1  }
0x2f: {  	v53, _, _ =	vpop (xrf2)  }
0x30: {  	v18 =	vperm.xlane v14, v6;
	v17 =	vbroadcast v53, $0xF;
	_ =	sdelay $0x1  }
0x31: {  	v17 =	vsel vm2, v17, v18  }
0x32: {  	vm11 =	vlt.f32 v14, v17;
	vm12 =	vgt.f32 v14, v17  }
0x33: {  	vm4 =	vmor vm12, vm11  }
0x34: {  	v54 =	vnsel vm4, $0x7FFFFFFF, v8  }
0x35: {  	(xrf0) =	vmax.scan.msk.u32 $0xffff, v54;
	_ =	sdelay $0x5  }
0x36: {  	v17, _, _ =	vpop (xrf0);
	s16 =	spop (v2sf)  }
0x37: {  	v17 =	vxor.u32 $0x80000000, v17;
	s16 =	sxor.u32 $0x80000000, s16  }
0x38: {  	vm13 =	vgt.s32 v17, s16  }
0x39: {  	v55 =	vsel vm1, $0x0, v14;
	v17 =	vnsel vm13, s16, v17  }
0x3a: {  	(xrf2) =	vadd.scan.msk.f32 $0xffff, v55;
	v56 =	vxor.u32 $0x80000000, v17  }
0x3b: {  	(xrf0) =	vmax.scan.msk.u32 $0xffff, v56;
	_ =	sdelay $0x5  }
0x3c: {  	v18, _, _ =	vpop (xrf0)  }
0x3d: {  	(v2sf) =	vpush v18, $0xF;
	_ =	sdelay $0x1  }
0x3e: {  	v57, _, _ =	vpop (xrf2)  }
0x3f: {  	v19 =	vperm.xlane v13, v6;
	v18 =	vbroadcast v57, $0xF;
	_ =	sdelay $0x1  }
0x40: {  	v18 =	vsel vm2, v18, v19  }
0x41: {  	vm14 =	vlt.f32 v13, v18;
	vm15 =	vgt.f32 v13, v18  }
0x42: {  	vm4 =	vmor vm15, vm14  }
0x43: {  	v58 =	vnsel vm4, $0x7FFFFFFF, v9  }
0x44: {  	(xrf0) =	vmax.scan.msk.u32 $0xffff, v58;
	_ =	sdelay $0x5  }
0x45: {  	v18, _, _ =	vpop (xrf0);
	s26 =	spop (v2sf)  }
0x46: {  	v18 =	vxor.u32 $0x80000000, v18;
	s16 =	sxor.u32 $0x80000000, s26  }
0x47: {  	vm8 =	vgt.s32 v18, s16  }
0x48: {  	v59 =	vsel vm1, $0x0, v13;
	v18 =	vnsel vm8, s16, v18  }
0x49: {  	(xrf2) =	vadd.scan.msk.f32 $0xffff, v59;
	v60 =	vxor.u32 $0x80000000, v18  }
0x4a: {  	(xrf0) =	vmax.scan.msk.u32 $0xffff, v60;
	_ =	sdelay $0x5  }
0x4b: {  	v19, _, _ =	vpop (xrf0)  }
0x4c: {  	v61 =	vnsel vm2, $0x0, v15;
	(v2sf) =	vpush v19, $0xF  }
0x4d: {  	(xrf2) =	vadd.scan.msk.f32 $0xffff, v61  }
0x4e: {  	v20, _, _ =	vpop (xrf2)  }
0x4f: {  	v63 =	vperm.xlane v12, v6;
	v62 =	vbroadcast v20, $0xF;
	_ =	sdelay $0x1  }
0x50: {  	v19 =	vsel vm2, v62, v63  }
0x51: {  	vm9 =	vlt.f32 v12, v19;
	vm10 =	vgt.f32 v12, v19  }
0x52: {  	vm4 =	vmor vm10, vm9  }
0x53: {  	v21 =	vnsel vm4, $0x7FFFFFFF, v10  }
0x54: {  	(xrf0) =	vmax.scan.msk.u32 $0xffff, v21;
	_ =	sdelay $0x1  }
0x55: {  	v22, _, _ =	vpop (xrf2)  }
0x56: {  	v19 =	vbroadcast v22, $0xF  }
0x57: {  	vm7 =	vlt.s32 v16, v11  }
0x58: {  	v24 =	vsel vm7, v15, v19  }
0x59: {  	vm6 =	vlt.s32 v17, v11;
	vm11 =	vlt.s32 v18, v11;
	v15 =	vsub.f32 v24, v19;
	v23, _, _ =	vpop (xrf0);
	s28 =	spop (v2sf)  }
0x5a: {  	v25 =	vsel vm6, v14, v19;
	v26 =	vsel vm11, v13, v19;
	v16 =	vxor.u32 $0x80000000, v23;
	s16 =	sxor.u32 $0x80000000, s28  }
0x5b: {  	v14 =	vsub.f32 v25, v19;
	v15 =	vmul.f32 $1.442695020e+00, v15;
	vm12 =	vgt.s32 v16, s16  }
0x5c: {  	v13 =	vsub.f32 v26, v19;
	v16 =	vnsel vm12, s16, v16  }
0x5d: {  	v14 =	vmul.f32 $1.442695020e+00, v14;
	(erf) = vpow2.f32 v15;
	vm5 =	vlt.s32 v16, v11  }
0x5e: {  	v27 =	vsel vm5, v12, v19  }
0x5f: {  	v13 =	vmul.f32 $1.442695020e+00, v13;
	(erf) = vpow2.f32 v14;
	v12 =	vsub.f32 v27, v19;
	_ =	sdelay $0x1  }
0x60: {  	(erf) = vpow2.f32 v13;
	v12 =	vmul.f32 $1.442695020e+00, v12;
	_ =	sdelay $0x1  }
0x61: {  	(erf) = vpow2.f32 v12;
	_ =	sdelay $0x2  }
0x62: {  	v28 =	vpop (erf)  }
0x63: {  	v12 =	vnsel vm7, $0x0, v28  }
0x64: {  	v29 =	vpop (erf);
	(xrf2) =	vadd.scan.msk.f32 $0xffff, v12  }
0x65: {  	v13 =	vnsel vm6, $0x0, v29  }
0x66: {  	v30 =	vpop (erf);
	(xrf2) =	vadd.scan.msk.f32 $0xffff, v13  }
0x67: {  	v14 =	vnsel vm11, $0x0, v30  }
0x68: {  	(xrf2) =	vadd.scan.msk.f32 $0xffff, v14;
	v31 =	vpop (erf)  }
0x69: {  	v15 =	vnsel vm5, $0x0, v31  }
0x6a: {  	(xrf2) =	vadd.scan.msk.f32 $0xffff, v15;
	_ =	sdelay $0x3  }
0x6b: {  	v32, _, _ =	vpop (xrf2)  }
0x6c: {  	(v2sf) =	vpush v32, $0xF  }
0x6d: {  	v33, _, _ =	vpop (xrf2)  }
0x6e: {  	(v2sf) =	vpush v33, $0xF  }
0x6f: {  	v34, _, _ =	vpop (xrf2)  }
0x70: {  	(v2sf) =	vpush v34, $0xF  }
0x71: {  	v35, _, _ =	vpop (xrf2)  }
0x72: {  	(v2sf) =	vpush v35, $0xF;
	_ =	sdelay $0x8  }
0x73: {  	s29 =	spop (v2sf)  }
0x74: {  	s16 =	sadd.f32 $0.0e+00, s29  }
0x75: {  	s17 =	spop (v2sf)  }
0x76: {  	s16 =	sadd.f32 s17, s16  }
0x77: {  	s30 =	spop (v2sf)  }
0x78: {  	s16 =	sadd.f32 s30, s16  }
0x79: {  	s31 =	spop (v2sf)  }
0x7a: {  	s16 =	sadd.f32 s31, s16;
	_ =	sdelay $0x1  }
0x7b: {  	v36 =	vmov s16  }
0x7c: {  	(erf) = vrcp.f32 v36;
	_ =	sdelay $0x8  }
0x7d: {  	v16 =	vpop (erf)  }
0x7e: {  	v12 =	vmul.f32 v16, v12;
	_ =	sdelay $0x1  }
0x7f: {  	v13 =	vmul.f32 v16, v13;
	(xrf2) =	vadd.scan.msk.f32 $0xffff, v12;
	_ =	sdelay $0x1  }
0x80: {  	(xrf2) =	vadd.scan.msk.f32 $0xffff, v13;
	_ =	sdelay $0x7  }
0x81: {  	v37, _, _ =	vpop (xrf2)  }
0x82: {  	v14 =	vmul.f32 v16, v14;
	(v2sf) =	vpush v37, $0xF  }
0x83: {  	v38, _, _ =	vpop (xrf2)  }
0x84: {  	(xrf2) =	vadd.scan.msk.f32 $0xffff, v14;
	(v2sf) =	vpush v38, $0xF;
	_ =	sdelay $0x9  }
0x85: {  	v39, _, _ =	vpop (xrf2)  }
0x86: {  	(v2sf) =	vpush v39, $0xF;
	_ =	sdelay $0x1  }
0x87: {  	v15 =	vmul.f32 v16, v15;
	v40 =	vadd.f32 $0.0e+00, v37;
	s17 =	spop (v2sf)  }
0x88: {  	s16 =	sadd.f32 $0.0e+00, s17  }
0x89: {  	(xrf2) =	vadd.scan.msk.f32 $0xffff, v15;
	v17 =	vsel vm1, $0x0, v40;
	s18 =	spop (v2sf)  }
0x8a: {  	(xrf2) =	vadd.scan.msk.f32 $0xffff, v17;
	v18 =	vadd.f32 s16, v38;
	s16 =	sadd.f32 s16, s18;
	_ =	sdelay $0x1  }
0x8b: {  	v41 =	vadd.f32 s16, v39;
	v42 =	vsel vm1, $0x0, v18  }
0x8c: {  	(xrf2) =	vadd.scan.msk.f32 $0xffff, v42  }
0x8d: {  	v43 =	vsel vm1, $0x0, v41  }
0x8e: {  	(xrf2) =	vadd.scan.msk.f32 $0xffff, v43;
	_ =	sdelay $0x3  }
0x8f: {  	v44, _, _ =	vpop (xrf2);
	v16 =	vperm.xlane v40, v6  }
0x90: {  	v45, _, _ =	vpop (xrf2);
	s19 =	spop (v2sf)  }
0x91: {  	v16 =	vsel vm3, $0x0, v16;
	v20 =	vbroadcast v45, $0xF;
	s16 =	sadd.f32 s16, s19;
	v18 =	vperm.xlane v18, v6  }
0x92: {  	vm3 =	vle.f32 v16, $1.000000010e-01  }
0x93: {  	vm3 =	vmand vm3, vm7;
	v46 =	vadd.f32 s16, v44;
	v18 =	vsel vm2, v20, v18;
	v47, _, _ =	vpop (xrf2)  }
0x94: {  	v17 =	vperm.xlane v41, v6;
	vm13 =	vle.f32 v18, $1.000000010e-01;
	v48 =	vbroadcast v47, $0xF  }
0x95: {  	v50 =	vnsel vm3, $0x0, v12;
	vm6 =	vmand vm6, vm13;
	v49, _, _ =	vpop (xrf2)  }
0x96: {  	v16 =	vperm.xlane v46, v6;
	(xrf2) =	vadd.scan.msk.f32 $0xffff, v50;
	v17 =	vsel vm2, v48, v17;
	v51 =	vbroadcast v49, $0xF  }
0x97: {  	v52 =	vnsel vm6, $0x0, v13;
	vm14 =	vle.f32 v17, $1.000000010e-01  }
0x98: {  	(xrf2) =	vadd.scan.msk.f32 $0xffff, v52;
	vm4 =	vmand vm11, vm14;
	v16 =	vsel vm2, v51, v16  }
0x99: {  	vm15 =	vle.f32 v16, $1.000000010e-01;
	v53 =	vnsel vm4, $0x0, v14  }
0x9a: {  	vm5 =	vmand vm5, vm15;
	(xrf2) =	vadd.scan.msk.f32 $0xffff, v53  }
0x9b: {  	v54 =	vnsel vm5, $0x0, v15  }
0x9c: {  	(xrf2) =	vadd.scan.msk.f32 $0xffff, v54;
	_ =	sdelay $0x3  }
0x9d: {  	v55, _, _ =	vpop (xrf2)  }
0x9e: {  	(v2sf) =	vpush v55, $0xF  }
0x9f: {  	v56, _, _ =	vpop (xrf2)  }
0xa0: {  	(v2sf) =	vpush v56, $0xF  }
0xa1: {  	v57, _, _ =	vpop (xrf2)  }
0xa2: {  	(v2sf) =	vpush v57, $0xF  }
0xa3: {  	v58, _, _ =	vpop (xrf2)  }
0xa4: {  	(v2sf) =	vpush v58, $0xF;
	_ =	sdelay $0x8  }
0xa5: {  	s20 =	spop (v2sf)  }
0xa6: {  	s16 =	sadd.f32 $0.0e+00, s20  }
0xa7: {  	s21 =	spop (v2sf)  }
0xa8: {  	s16 =	sadd.f32 s21, s16  }
0xa9: {  	s22 =	spop (v2sf)  }
0xaa: {  	s16 =	sadd.f32 s22, s16  }
0xab: {  	s23 =	spop (v2sf)  }
0xac: {  	s16 =	sadd.f32 s23, s16;
	_ =	sdelay $0x1  }
0xad: {  	v59 =	vmov s16  }
0xae: {  	(erf) = vrcp.f32 v59;
	_ =	sdelay $0x8  }
0xaf: {  	v16 =	vpop (erf)  }
0xb0: {  	v12 =	vmul.f32 v16, v12  }
0xb1: {  	v13 =	vmul.f32 v16, v13  }
0xb2: {  	v14 =	vmul.f32 v16, v14;
	v12 =	vnsel vm3, $0x0, v12  }
0xb3: {  	v61 =	vmul.f32 v16, v15;
	v60 =	vnsel vm6, $0x0, v13;
	[tilespmem:$0x1A900] =	vst v12  }
0xb4: {  	v62 =	vnsel vm4, $0x0, v14;
	[tilespmem:$0x1A910] =	vst v60  }
0xb5: {  	v63 =	vnsel vm5, $0x0, v61;
	[tilespmem:$0x1A920] =	vst v62  }
0xb6: {  	s24 =	sadd.s32 s5, s15;
	s15 =	simm.s32 $0x1;
	[tilespmem:$0x1A930] =	vst v63  }
0xb7: {  	[hbm4b:s24+s3] =	stream.linear.scatter [tilespmem:s12], [sflag:$0x1], $0x3200, $0x38;
	[tilespmem:$0x1DB80] =	vst v63  }
0xb8: {  	_ =	swait.ge [sflag:s15], $0x3200  }
0xb9: {  	[sflag:s15] =	ssyncset.done $0x0  }
0xba: {  	[sflag:s15] =	ssyncadd.s32 $0xFFFFCE00  }
0xbb: {  	[tilespmem:$0x1A900] =	vst v2  }
0xbc: {  	[tilespmem:$0x1A910] =	vst v2  }
0xbd: {  	[tilespmem:$0x1A920] =	vst v2  }
0xbe: {  	s25 =	sadd.s32 $0x640, s24;
	[tilespmem:$0x1A930] =	vst v2  }
0xbf: {  	[hbm4b:s25+s3] =	stream.linear.scatter [tilespmem:s12], [sflag:$0x1], $0x3200, $0x38;
	[tilespmem:$0x1DB80] =	vst v63  }
0xc0: {  	_ =	swait.ge [sflag:s15], $0x3200  }
0xc1: {  	[sflag:s15] =	ssyncset.done $0x0  }
0xc2: {  	s26 =	sadd.s32 $0xC80, s24;
	[sflag:s15] =	ssyncadd.s32 $0xFFFFCE00  }
0xc3: {  	[hbm4b:s26+s3] =	stream.linear.scatter [tilespmem:s12], [sflag:$0x1], $0x3200, $0x38;
	[tilespmem:$0x1DB80] =	vst v63  }
0xc4: {  	_ =	swait.ge [sflag:s15], $0x3200  }
0xc5: {  	[sflag:s15] =	ssyncset.done $0x0  }
0xc6: {  	s28 =	sadd.s32 $0x12C0, s24;
	[sflag:s15] =	ssyncadd.s32 $0xFFFFCE00  }
0xc7: {  	[hbm4b:s28+s3] =	stream.linear.scatter [tilespmem:s12], [sflag:$0x1], $0x3200, $0x38;
	[tilespmem:$0x1DB80] =	vst v63  }
0xc8: {  	_ =	swait.ge [sflag:s15], $0x3200  }
0xc9: {  	[sflag:s15] =	ssyncset.done $0x0  }
0xca: {  	s29 =	sadd.s32 $0x1900, s24;
	[sflag:s15] =	ssyncadd.s32 $0xFFFFCE00  }
0xcb: {  	[hbm4b:s29+s3] =	stream.linear.scatter [tilespmem:s12], [sflag:$0x1], $0x3200, $0x38;
	[tilespmem:$0x1DB80] =	vst v63  }
0xcc: {  	_ =	swait.ge [sflag:s15], $0x3200  }
0xcd: {  	[sflag:s15] =	ssyncset.done $0x0  }
0xce: {  	s30 =	sadd.s32 $0x1F40, s24;
	[sflag:s15] =	ssyncadd.s32 $0xFFFFCE00  }
0xcf: {  	[hbm4b:s30+s3] =	stream.linear.scatter [tilespmem:s12], [sflag:$0x1], $0x3200, $0x38;
	[tilespmem:$0x1DB80] =	vst v63  }
0xd0: {  	_ =	swait.ge [sflag:s15], $0x3200  }
0xd1: {  	[sflag:s15] =	ssyncset.done $0x0  }
0xd2: {  	s31 =	sadd.s32 $0x2580, s24;
	[sflag:s15] =	ssyncadd.s32 $0xFFFFCE00  }
0xd3: {  	[hbm4b:s31+s3] =	stream.linear.scatter [tilespmem:s12], [sflag:$0x1], $0x3200, $0x38;
	[tilespmem:$0x1DB80] =	vst v63  }
0xd4: {  	_ =	swait.ge [sflag:s15], $0x3200  }
0xd5: {  	[sflag:s15] =	ssyncset.done $0x0  }
.Ltmp4:
0xd6: {  	s16 =	sadd.s32 $0x2BC0, s24;
	[sflag:s15] =	ssyncadd.s32 $0xFFFFCE00;
	(pc) =	sbr.rel @!p0 .LBB2_21-.Ltmp4, $4  }
0xd7: {  	[hbm4b:s16+s3] =	stream.linear.scatter [tilespmem:s12], [sflag:$0x1], $0x28A0, $0x38;
	[tilespmem:$0x1DB80] =	vst v63  }
0xd8: {  	_ =	swait.ge [sflag:s15], $0x28A0  }
0xd9: {  	[sflag:s15] =	ssyncset.done $0x0  }
0xda: {  	p1 =	por $0x0, $0x0;
	[sflag:s15] =	ssyncadd.s32 $0xFFFFD760  }
.LBB2_4:
0xdb: {  	s15 =	sor.u32 s6, s15  }
0xdc: {  	s15 =	smul.u32 $0x186A0, s15;
	_ =	sdelay $0x1  }
0xdd: {  	s15 =	sshrl.u32 s15, $0x3  }
0xde: {  	s16 =	sadd.s32 s1, s15  }
0xdf: {  	[tilespmem:s14], [sflag:$0x1] =	stream.linear.gather [hbm4b:s16+s14], $0x186A0, $0x38;
	[tilespmem:$0x1DB80] =	vst v63  }
0xe0: {  	_ =	swait.ge [sflag:s9], $0x186A0  }
0xe1: {  	p0 =	por p1, p1;
	[sflag:s9] =	ssyncset.done $0x0  }
0xe2: {  	s17 =	simm.s32 $0x0;
	s16 =	simm.s32 $0x40;
	[sflag:s9] =	ssyncadd.s32 $0xFFFE7960  }
.LBB2_5:
0xe3: {  	p1 =	sne.s32 s16, $0x7FC0;
	[tilespmem:s17+$0x18700] =	vst v3;
	s17 =	smov.u32 s16;
	s16 =	sadd.s32 $0x40, s16  }
.Ltmp5:
0xe4: {  	(pc) =	sbr.rel @p1 .LBB2_5-.Ltmp5, $2  }
0xe5: {  	_ =	sdelay $0x2  }
0xe6: {  	s17 =	sshra.s32 s17, $0x2  }
0xe7: {  	[tilespmem:s17+$0x18700] =	vst v3  }
0xe8: {  	[tilespmem:$0x1A700] =	vst v0  }
0xe9: {  	[tilespmem:$0x1A710] =	vst v0  }
0xea: {  	[tilespmem:$0x1A720] =	vst v0  }
0xeb: {  	[tilespmem:$0x1A730] =	vst v0  }
0xec: {  	[tilespmem:$0x1A740] =	vst v0  }
0xed: {  	[tilespmem:$0x1A750] =	vst v0  }
0xee: {  	[tilespmem:$0x1A760] =	vst v0  }
0xef: {  	[tilespmem:$0x1A770] =	vst v0  }
0xf0: {  	[tilespmem:$0x1A780] =	vst v0  }
0xf1: {  	[tilespmem:$0x1A790] =	vst v0  }
0xf2: {  	[tilespmem:$0x1A7A0] =	vst v0  }
0xf3: {  	[tilespmem:$0x1A7B0] =	vst v0  }
0xf4: {  	[tilespmem:$0x1A7C0] =	vst v0  }
0xf5: {  	[tilespmem:$0x1A7D0] =	vst v0  }
0xf6: {  	[tilespmem:$0x1A7E0] =	vst v0  }
0xf7: {  	[tilespmem:$0x1A7F0] =	vst v0  }
0xf8: {  	[tilespmem:$0x1A800] =	vst v0  }
0xf9: {  	[tilespmem:$0x1A810] =	vst v0  }
0xfa: {  	[tilespmem:$0x1A820] =	vst v0  }
0xfb: {  	[tilespmem:$0x1A830] =	vst v0  }
0xfc: {  	[tilespmem:$0x1A840] =	vst v0  }
0xfd: {  	[tilespmem:$0x1A850] =	vst v0  }
0xfe: {  	[tilespmem:$0x1A860] =	vst v0  }
0xff: {  	[tilespmem:$0x1A870] =	vst v0  }
0x100: {  	[tilespmem:$0x1A880] =	vst v0  }
0x101: {  	[tilespmem:$0x1A890] =	vst v0  }
0x102: {  	[tilespmem:$0x1A8A0] =	vst v0  }
0x103: {  	[tilespmem:$0x1A8B0] =	vst v0  }
0x104: {  	[tilespmem:$0x1A8C0] =	vst v0  }
0x105: {  	[tilespmem:$0x1A8D0] =	vst v0  }
0x106: {  	[tilespmem:$0x1A8E0] =	vst v0  }
0x107: {  	s16 =	simm.s32 $0x0;
	s17 =	simm.s32 $0x0;
	[tilespmem:$0x1A8F0] =	vst v0  }
.LBB2_7:
0x108: {  	s18 =	sshra.s32 s17, $0x2  }
0x109: {  	v12 =	vld [tilespmem:s18+$0x0];
	_ =	sdelay $0x4  }
0x10a: {  	v13 =	vshra.s32 v12, $0x1F  }
0x10b: {  	v13 =	vor.u32 $0x80000000, v13  }
0x10c: {  	v12 =	vxor.u32 v12, v13  }
0x10d: {  	p1 =	sne.s32 s17, $0x61A40;
	v12 =	vshrl.u32 v12, $0x13  }
.Ltmp6:
0x10e: {  	_ = 	snop;
	(pc) =	sbr.rel @p1 .LBB2_7-.Ltmp6, $2  }
0x10f: {  	_ =	sdelay $0x2  }
0x110: {  	s17 =	sadd.s32 $0x40, s17;
	[tilespmem:v12+s10+$0x0] =	vst.idx.add.s32.msk $0xffff, v4  }
0x111: {  	s17 =	simm.s32 $0x1A6F0  }
0x112: {  	v12 =	vld [tilespmem:s17+$0x0]  }
0x113: {  	s22 =	simm.s32 $0x1A6E0  }
0x114: {  	v13 =	vld [tilespmem:s22+$0x0];
	_ =	sdelay $0x2  }
0x115: {  	(xrf0) =	vadd.scan.msk.s32 $0xffff, v12;
	_ =	sdelay $0x1  }
0x116: {  	(xrf0) =	vadd.scan.msk.s32 $0xffff, v13;
	_ =	sdelay $0x1  }
0x117: {  	s23 =	simm.s32 $0x1A6D0  }
0x118: {  	v14 =	vld [tilespmem:s23+$0x0]  }
0x119: {  	v15, _, _ =	vpop (xrf0)  }
0x11a: {  	(v2sf) =	vpush v15, $0xF  }
0x11b: {  	v16, _, _ =	vpop (xrf0)  }
0x11c: {  	(v2sf) =	vpush v16, $0xF  }
0x11d: {  	s24 =	simm.s32 $0x1A6C0;
	(xrf0) =	vadd.scan.msk.s32 $0xffff, v14  }
0x11e: {  	v17 =	vld [tilespmem:s24+$0x0]  }
0x11f: {  	v12 =	vadd.s32 s16, v12;
	v18 =	vbroadcast v15, $0xF  }
0x120: {  	v12 =	vsub.s32 v12, v15  }
0x121: {  	v12 =	vadd.s32 v18, v12  }
0x122: {  	vm3 =	vge.s32 v12, v11  }
0x123: {  	(xrf0) =	vadd.scan.msk.s32 $0xffff, v17;
	v12 =	vsel vm3, $0x1, v3;
	v15, _, _ =	vpop (xrf0)  }
0x124: {  	(xrf0) =	vadd.scan.msk.s32 $0xffff, v12;
	(v2sf) =	vpush v15, $0xF;
	_ =	sdelay $0x4  }
0x125: {  	s25 =	simm.s32 $0x1A6B0;
	v18, _, _ =	vpop (xrf0);
	s18 =	spop (v2sf)  }
0x126: {  	v19 =	vld [tilespmem:s25+$0x0];
	(v2sf) =	vpush v18, $0xF;
	v12, _, _ =	vpop (xrf0);
	s26 =	sadd.s32 $0x0, s18  }
0x127: {  	s29 =	simm.s32 $0x1A6A0;
	v20 =	vbroadcast v16, $0xF;
	(v2sf) =	vpush v12, $0xF;
	s19 =	spop (v2sf);
	v12 =	vadd.s32 s26, v13  }
0x128: {  	s17 =	sadd.s32 s26, s19;
	v13 =	vsub.s32 v12, v16;
	v12 =	vld [tilespmem:s29+$0x0]  }
0x129: {  	v16 =	vbroadcast v15, $0xF;
	v14 =	vadd.s32 s17, v14;
	v13 =	vadd.s32 v20, v13  }
0x12a: {  	v14 =	vsub.s32 v14, v15;
	vm3 =	vge.s32 v13, v11  }
0x12b: {  	(xrf0) =	vadd.scan.msk.s32 $0xffff, v19;
	v14 =	vadd.s32 v16, v14;
	v13 =	vsel vm3, $0x1, v3  }
0x12c: {  	vm3 =	vge.s32 v14, v11;
	(xrf0) =	vadd.scan.msk.s32 $0xffff, v13  }
0x12d: {  	v13 =	vsel vm3, $0x1, v3;
	(xrf0) =	vadd.scan.msk.s32 $0xffff, v12  }
0x12e: {  	(xrf0) =	vadd.scan.msk.s32 $0xffff, v13  }
0x12f: {  	v14 =	vbroadcast v18, $0xF;
	s31 =	spop (v2sf)  }
0x130: {  	s17 =	sadd.s32 s17, s31  }
0x131: {  	v15 =	vadd.s32 s17, v17;
	v17, _, _ =	vpop (xrf0)  }
0x132: {  	v15 =	vsub.s32 v15, v18;
	(v2sf) =	vpush v17, $0xF;
	v16, _, _ =	vpop (xrf0)  }
0x133: {  	v15 =	vadd.s32 v14, v15;
	(v2sf) =	vpush v16, $0xF;
	v14, _, _ =	vpop (xrf0)  }
0x134: {  	(v2sf) =	vpush v14, $0xF;
	v16, _, _ =	vpop (xrf0)  }
0x135: {  	s24 =	spop (v2sf);
	(v2sf) =	vpush v16, $0xF  }
0x136: {  	s30 =	simm.s32 $0x1A690  }
0x137: {  	v13 =	vld [tilespmem:s30+$0x0];
	_ =	sdelay $0x3  }
0x138: {  	p1 =	por $0x0, $0x0;
	s21 =	simm.s32 $0x1FCF;
	s20 =	simm.s32 $0x1FAF;
	vm3 =	vge.s32 v15, v11  }
0x139: {  	s28 =	simm.s32 $0x1F6F;
	s23 =	simm.s32 $0x1FDF;
	s22 =	simm.s32 $0x1FBF;
	v15 =	vsel vm3, $0x1, v3;
	(xrf0) =	vadd.scan.msk.s32 $0xffff, v13  }
0x13a: {  	s26 =	simm.s32 $0x1A680;
	s25 =	sadd.s32 s17, s24;
	s29 =	spop (v2sf);
	(xrf0) =	vadd.scan.msk.s32 $0xffff, v15  }
0x13b: {  	s18 =	simm.s32 $0x1F9F;
	s19 =	simm.s32 $0x1F8F;
	v18 =	vadd.s32 s25, v19;
	s24 =	sadd.s32 $0x1FEF, s29;
	v15 =	vld [tilespmem:s26+$0x0]  }
0x13c: {  	s17 =	simm.s32 $0x1F7F;
	p2 =	sgt.s32 s29, $0x0;
	s24 =	smov.u32 @p1 s16;
	v16 =	vbroadcast v17, $0xF;
	v17 =	vsub.s32 v18, v17  }
.LBB2_9:
0x13d: {  	p3 =	sne.s32 s28, $0xFFFFFFFF;
	s16 =	smov.u32 @p2 s24;
	p1 =	por p1, p2  }
0x13e: {  	v16 =	vadd.s32 v16, v17;
	s29 =	smov.u32 s20;
	s20 =	smov.u32 s18;
	s18 =	smov.u32 s19  }
0x13f: {  	s19 =	smov.u32 s17;
	s17 =	smov.u32 s28;
	s28 =	sadd.s32 $0xFFFFFFF0, s28;
	v18, _, _ =	vpop (xrf0);
	vm3 =	vge.s32 v16, v11  }
.Ltmp7:
0x140: {  	(xrf0) =	vadd.scan.msk.s32 $0xffff, v15;
	(v2sf) =	vpush v18, $0xF;
	v16 =	vsel vm3, $0x1, v3;
	v17, _, _ =	vpop (xrf0);
	v19 =	vmov v15;
	(pc) =	sbr.rel @p3 .LBB2_9-.Ltmp7, $4  }
0x141: {  	s26 =	sadd.s32 $0xFFFFFFF0, s26;
	s24 =	spop (v2sf);
	(xrf0) =	vadd.scan.msk.s32 $0xffff, v16;
	(v2sf) =	vpush v17, $0xF  }
0x142: {  	v15 =	vld [tilespmem:s26+$0x0];
	s25 =	sadd.s32 s25, s24;
	s30 =	spop (v2sf)  }
0x143: {  	v16 =	vbroadcast v14, $0xF;
	v17 =	vadd.s32 s25, v12;
	s24 =	sadd.s32 s23, s30;
	v12 =	vmovc v13;
	v13 =	vmov v19;
	s23 =	smov.u32 s21;
	s21 =	smov.u32 s22  }
0x144: {  	p2 =	sgt.s32 s30, $0x0;
	s22 =	smov.u32 s29;
	v17 =	vsub.s32 v17, v14;
	s24 =	smov.u32 @p1 s16;
	v14 =	vmov v18  }
0x145: {  	_ = 	snop  }
0x146: {  	v18, _, _ =	vpop (xrf0)  }
0x147: {  	(v2sf) =	vpush v18, $0xF;
	_ =	sdelay $0x8  }
0x148: {  	s26 =	spop (v2sf);
	(xrf0) =	vadd.scan.msk.s32 $0xffff, v15  }
0x149: {  	v16 =	vadd.s32 v16, v17;
	s25 =	sadd.s32 s25, s26  }
0x14a: {  	vm3 =	vge.s32 v16, v11;
	v12 =	vadd.s32 s25, v12  }
0x14b: {  	v60 =	vbroadcast v14, $0xF;
	s28 =	spop (v2sf);
	v12 =	vsub.s32 v12, v14;
	v14 =	vsel vm3, $0x1, v3  }
0x14c: {  	s30 =	spop (v2sf)  }
0x14d: {  	v61, _, _ =	vpop (xrf0);
	s25 =	sadd.s32 s25, s30;
	s31 =	spop (v2sf)  }
0x14e: {  	v62 =	vbroadcast v18, $0xF;
	v12 =	vadd.s32 v60, v12;
	(xrf0) =	vadd.scan.msk.s32 $0xffff, v14;
	v14, _, _ =	vpop (xrf0);
	v13 =	vadd.s32 s25, v13;
	s29 =	spop (v2sf)  }
0x14f: {  	vm3 =	vge.s32 v12, v11;
	v63 =	vbroadcast v14, $0xF;
	v12 =	vsub.s32 v13, v18;
	s25 =	sadd.s32 s25, s29  }
0x150: {  	v13 =	vsel vm3, $0x1, v3;
	v12 =	vadd.s32 v62, v12;
	v15 =	vadd.s32 s25, v15  }
0x151: {  	(xrf0) =	vadd.scan.msk.s32 $0xffff, v13;
	vm3 =	vge.s32 v12, v11;
	v12 =	vsub.s32 v15, v14  }
0x152: {  	v13 =	vsel vm3, $0x1, v3;
	v12 =	vadd.s32 v63, v12  }
0x153: {  	(xrf0) =	vadd.scan.msk.s32 $0xffff, v13;
	vm3 =	vge.s32 v12, v11  }
0x154: {  	(v2sf) =	vpush v61, $0xF;
	v12 =	vsel vm3, $0x1, v3  }
0x155: {  	(v2sf) =	vpush v14, $0xF;
	v13, _, _ =	vpop (xrf0);
	(xrf0) =	vadd.scan.msk.s32 $0xffff, v12  }
0x156: {  	(v2sf) =	vpush v13, $0xF  }
0x157: {  	v12, _, _ =	vpop (xrf0)  }
0x158: {  	(v2sf) =	vpush v12, $0xF  }
0x159: {  	v12, _, _ =	vpop (xrf0)  }
0x15a: {  	(v2sf) =	vpush v12, $0xF  }
0x15b: {  	v12, _, _ =	vpop (xrf0)  }
0x15c: {  	(v2sf) =	vpush v12, $0xF;
	_ =	sdelay $0x2  }
0x15d: {  	s16 =	smov.u32 @p2 s24  }
0x15e: {  	p1 =	por p1, p2;
	s23 =	sadd.s32 s23, s28;
	p2 =	sgt.s32 s28, $0x0  }
0x15f: {  	s23 =	smov.u32 @p1 s16;
	p1 =	por p1, p2  }
0x160: {  	s16 =	smov.u32 @p2 s23;
	s21 =	sadd.s32 s21, s31;
	p2 =	sgt.s32 s31, $0x0  }
0x161: {  	s21 =	smov.u32 @p1 s16;
	p1 =	por p1, p2;
	s26 =	spop (v2sf)  }
0x162: {  	s16 =	smov.u32 @p2 s21;
	s21 =	sadd.s32 s22, s26;
	s28 =	spop (v2sf)  }
0x163: {  	p2 =	sgt.s32 s26, $0x0;
	s21 =	smov.u32 @p1 s16;
	s22 =	spop (v2sf)  }
0x164: {  	p1 =	por p1, p2;
	s16 =	smov.u32 @p2 s21;
	s20 =	sadd.s32 s20, s22  }
0x165: {  	p2 =	sgt.s32 s22, $0x0;
	s20 =	smov.u32 @p1 s16;
	s29 =	spop (v2sf)  }
0x166: {  	p1 =	por p1, p2;
	s16 =	smov.u32 @p2 s20;
	s18 =	sadd.s32 s18, s29  }
0x167: {  	p2 =	sgt.s32 s29, $0x0;
	s30 =	spop (v2sf);
	s18 =	smov.u32 @p1 s16  }
0x168: {  	p1 =	por p1, p2;
	s16 =	smov.u32 @p2 s18;
	s18 =	sadd.s32 s19, s30  }
0x169: {  	p2 =	sgt.s32 s30, $0x0;
	s18 =	smov.u32 @p1 s16;
	s31 =	spop (v2sf)  }
0x16a: {  	p1 =	por p1, p2;
	s16 =	smov.u32 @p2 s18;
	s17 =	sadd.s32 s17, s31  }
0x16b: {  	p2 =	sgt.s32 s31, $0x0;
	s17 =	smov.u32 @p1 s16  }
0x16c: {  	s16 =	smov.u32 @p2 s17  }
0x16d: {  	v12 =	vimm.s32 $0x0;
	s17 =	simm.s32 $0x0;
	v13 =	vmov s16;
	s16 =	simm.s32 $0x40  }
.LBB2_11:
0x16e: {  	p1 =	sne.s32 s16, $0x61A40;
	v14 =	vld [tilespmem:s17+$0x0];
	_ =	sdelay $0x4  }
0x16f: {  	v15 =	vshra.s32 v14, $0x1F  }
0x170: {  	v15 =	vor.u32 $0x80000000, v15  }
0x171: {  	v15 =	vxor.u32 v14, v15  }
0x172: {  	v15 =	vshrl.u32 v15, $0x13  }
0x173: {  	vm4 =	vlt.s32 v12, $0x1F0;
	vm3 =	vge.s32 v15, v13  }
0x174: {  	vm3 =	vmand vm4, vm3  }
0x175: {  	v15 =	vsel vm3, $0x1, v3  }
0x176: {  	(xrf0) =	vadd.scan.msk.s32 $0xffff, v15;
	_ =	sdelay $0x5  }
0x177: {  	v15, _, _ =	vpop (xrf0)  }
0x178: {  	v16 =	vadd.s32 v15, v12;
	v15 =	vbroadcast v15, $0xF  }
0x179: {  	v16 =	vadd.s32 $0xFFFFFFFF, v16  }
.Ltmp8:
0x17a: {  	v12 =	vadd.s32 v12, v15;
	(pc) =	sbr.rel @p1 .LBB2_11-.Ltmp8, $2  }
0x17b: {  	_ =	sdelay $0x2  }
0x17c: {  	s17 =	sshra.s32 s16, $0x2;
	s16 =	sadd.s32 $0x40, s16;
	[tilespmem:v16+s11+$0x0] =	vst.idx.msk vm3, v14  }
0x17d: {  	v14 =	vld [tilespmem:s17+$0x0];
	_ =	sdelay $0x4  }
0x17e: {  	v15 =	vshra.s32 v14, $0x1F  }
0x17f: {  	v15 =	vor.u32 $0x80000000, v15  }
0x180: {  	v15 =	vxor.u32 v14, v15  }
0x181: {  	v15 =	vshrl.u32 v15, $0x13  }
0x182: {  	vm4 =	vlt.s32 v12, $0x1F0;
	vm3 =	vge.s32 v15, v13  }
0x183: {  	vm3 =	vmand vm4, vm3  }
0x184: {  	v13 =	vsel vm3, $0x1, v3  }
0x185: {  	(xrf0) =	vadd.scan.msk.s32 $0xffff, v13;
	_ =	sdelay $0x5  }
0x186: {  	v13, _, _ =	vpop (xrf0)  }
0x187: {  	v15 =	vbroadcast v13, $0xF;
	_ =	sdelay $0x1  }
0x188: {  	v15 =	vadd.s32 v12, v15  }
0x189: {  	v15 =	vxor.u32 $0x80000000, v15  }
0x18a: {  	(xrf0) =	vmax.scan.msk.u32 $0xffff, v15;
	_ =	sdelay $0x5  }
0x18b: {  	v15, _, _ =	vpop (xrf0)  }
0x18c: {  	(v2sf) =	vpush v15, $0xF;
	_ =	sdelay $0xe  }
0x18d: {  	s16 =	spop (v2sf)  }
0x18e: {  	s16 =	sadd.s32 $0x8000000F, s16  }
0x18f: {  	v12 =	vadd.s32 v13, v12;
	s30 =	sand.u32 $0xF, s16  }
0x190: {  	v13 =	vadd.s32 $0xFFFFFFFF, v12;
	s31 =	sshra.s32 s16, $0x1F;
	p2 =	slt.s32 s16, $0x1;
	p1 =	sne.s32 s30, $0x0  }
.Ltmp9:
0x191: {  	s17 =	sshrl.u32 s31, $0x1C;
	p1 =	por !p2, !p1;
	(pc) =	sbr.rel .LBB2_13-.Ltmp9, $4  }
0x192: {  	s16 =	sadd.s32 s17, s16;
	s17 =	simm.s32 $0x1;
	p1 =	por !p1, !p1  }
0x193: {  	s16 =	sshra.s32 s16, $0x4;
	s17 =	simm.s32 @!p1 $0x0  }
0x194: {  	v12 =	vimm.f32 $-3.000000010e+38;
	s16 =	ssub.s32 s16, s17  }
0x195: {  	[tilespmem:v13+s11+$0x0] =	vst.idx.msk vm3, v14;
	v13 =	vimm.f32 $-3.000000010e+38;
	v14 =	vimm.f32 $-3.000000010e+38;
	v15 =	vimm.f32 $-3.000000010e+38;
	s17 =	simm.s32 $0x0;
	p1 =	slt.s32 s16, $0x1  }
.LBB2_18:
0x196: {  	vm3 =	veq.f32 v17, v16  }
0x197: {  	v18 =	vsel vm3, $0x3F800000, v2  }
0x198: {  	(xrf0) =	vmax.scan.msk.f32 $0xffff, v18;
	_ =	sdelay $0x5  }
0x199: {  	v18, _, _ =	vpop (xrf0)  }
0x19a: {  	(v2sf) =	vpush v18, $0xF;
	_ =	sdelay $0xe  }
0x19b: {  	s19 =	spop (v2sf)  }
0x19c: {  	p3 =	sgt.f32 s19, $0.0e+00  }
0x19d: {  	p2 =	por !p2, !p2  }
0x19e: {  	v18 =	vmctz.xlane vm3;
	p2 =	por !p3, !p2  }
0x19f: {  	vm3 =	vmmov vm0;
	p2 =	por !p2, !p2  }
0x1a0: {  	vm4 =	veq.s32 v18, v5;
	vm3 =	vmneg @p2 vm3  }
0x1a1: {  	vm3 =	vmand vm4, vm3  }
0x1a2: {  	v17 =	vsel vm3, $0xFF61B1E6, v17  }
0x1a3: {  	[tilespmem:s18+$0x0] =	vst v17  }
.LBB2_19:
0x1a4: {  	s18 =	sshrl.u32 s17, $0x4;
	s19 =	sand.u32 $0xF, s17  }
0x1a5: {  	vm3 =	vmmov vm0;
	p2 =	seq.s32 s18, $0x0;
	v17 =	vmov s19  }
0x1a6: {  	vm3 =	vmneg @p2 vm3;
	vm4 =	veq.s32 v17, v5  }
0x1a7: {  	vm3 =	vmand vm3, vm4  }
0x1a8: {  	s17 =	sadd.s32 $0x1, s17;
	p2 =	seq.s32 s18, $0x1;
	v15 =	vsel vm3, v16, v15;
	vm3 =	vmmov vm0  }
0x1a9: {  	vm3 =	vmneg @p2 vm3;
	p2 =	sne.s32 s17, $0x40  }
.Ltmp10:
0x1aa: {  	_ = 	snop;
	(pc) =	sbr.rel @!p2 .LBB2_20-.Ltmp10, $4  }
0x1ab: {  	vm5 =	vmmov vm0;
	vm6 =	vmmov vm0;
	p3 =	seq.s32 s18, $0x2;
	p4 =	seq.s32 s18, $0x3  }
0x1ac: {  	vm5 =	vmneg @p3 vm5;
	vm6 =	vmneg @p4 vm6  }
0x1ad: {  	vm5 =	vmand vm5, vm4;
	vm3 =	vmand vm3, vm4;
	vm4 =	vmand vm6, vm4  }
0x1ae: {  	v13 =	vsel vm5, v16, v13;
	v14 =	vsel vm3, v16, v14;
	v12 =	vsel vm4, v16, v12  }
.LBB2_13:
.Ltmp11:
0x1af: {  	(pc) =	sbr.rel @p1 .LBB2_19-.Ltmp11, $2  }
0x1b0: {  	_ =	sdelay $0x2  }
0x1b1: {  	s18 =	simm.s32 $0x1A700;
	v16 =	vmov v1  }
0x1b2: {  	p2 =	sne.s32 s16, $0x1  }
.Ltmp12:
0x1b3: {  	_ = 	snop;
	(pc) =	sbr.rel @!p2 .LBB2_16-.Ltmp12, $2  }
0x1b4: {  	_ =	sdelay $0x2  }
0x1b5: {  	s19 =	sadd.s32 $0xFFFFFFFF, s16;
	v17 =	vld [tilespmem:s18+$0x0];
	v16 =	vimm.f32 $-3.000000010e+38  }
.LBB2_15:
0x1b6: {  	p2 =	sne.s32 s19, $0x1  }
.Ltmp13:
0x1b7: {  	_ = 	snop;
	(pc) =	sbr.rel @p2 .LBB2_15-.Ltmp13, $3  }
0x1b8: {  	_ =	sdelay $0x1  }
0x1b9: {  	s19 =	sadd.s32 $0xFFFFFFFF, s19;
	s18 =	sadd.s32 $0x10, s18;
	v16 =	vmax.f32 v16, v17  }
0x1ba: {  	v17 =	vld [tilespmem:s18+$0x0]  }
.LBB2_16:
0x1bb: {  	_ =	sdelay $0x3  }
0x1bc: {  	v16 =	vmax.f32 v16, v17  }
0x1bd: {  	(xrf0) =	vmax.scan.msk.f32 $0xffff, v16;
	_ =	sdelay $0x2  }
0x1be: {  	s18 =	simm.s32 $0x1A700;
	p3 =	sne.s32 s16, $0x1  }
.Ltmp14:
0x1bf: {  	v17 =	vld [tilespmem:s18+$0x0];
	(pc) =	sbr.rel @!p3 .LBB2_18-.Ltmp14, $4  }
0x1c0: {  	_ = 	snop  }
0x1c1: {  	v16, _, _ =	vpop (xrf0)  }
0x1c2: {  	v16 =	vbroadcast v16, $0xF  }
0x1c3: {  	p2 =	por $0x0, $0x0;
	s19 =	sadd.s32 $0xFFFFFFFF, s16  }
.LBB2_17:
0x1c4: {  	p3 =	sne.s32 s19, $0x1;
	_ =	sdelay $0x3  }
0x1c5: {  	vm3 =	veq.f32 v17, v16  }
0x1c6: {  	v18 =	vsel vm3, $0x3F800000, v2;
	v19 =	vmctz.xlane vm3  }
0x1c7: {  	(xrf0) =	vmax.scan.msk.f32 $0xffff, v18;
	_ =	sdelay $0x5  }
0x1c8: {  	v18, _, _ =	vpop (xrf0)  }
0x1c9: {  	(v2sf) =	vpush v18, $0xF;
	_ =	sdelay $0xe  }
0x1ca: {  	s20 =	spop (v2sf)  }
0x1cb: {  	p4 =	sgt.f32 s20, $0.0e+00  }
0x1cc: {  	p5 =	por !p2, !p2  }
0x1cd: {  	p5 =	por !p4, !p5;
	p2 =	por p2, p4  }
0x1ce: {  	vm4 =	vmmov vm0;
	p4 =	por !p5, !p5  }
.Ltmp15:
0x1cf: {  	vm3 =	veq.s32 v19, v5;
	vm4 =	vmneg @p4 vm4;
	(pc) =	sbr.rel @p3 .LBB2_17-.Ltmp15, $4  }
0x1d0: {  	vm3 =	vmand vm3, vm4  }
0x1d1: {  	v17 =	vsel vm3, $0xFF61B1E6, v17  }
0x1d2: {  	[tilespmem:s18+$0x0] =	vst v17;
	s18 =	sadd.s32 $0x10, s18  }
0x1d3: {  	s19 =	sadd.s32 $0xFFFFFFFF, s19;
	v17 =	vld [tilespmem:s18+$0x0]  }
.Ltmp16:
0x1d4: {  	_ = 	snop;
	(pc) =	sbr.rel .LBB2_18-.Ltmp16, $1  }
0x1d5: {  	_ =	sdelay $0x3  }
.LBB2_22:
0x1d6: {  	_ =	sfence.sel $0x180000  }
0x1d7: {  	[bflag:$0x0] =	sbarrier.arrive $0xFFFF  }
0x1d8: {  	p0 =	sne.s32 s4, $0x0;
	_ =	strace $0x90000047  }
0x1d9: {  	s0 =	sadd.s32 @!p0 $0x100000, s0;
	[bflag:$0x2] =	sbarrier.arrive $0xFFFF  }
0x1da: {  	[sflag:s0] =	ssyncadd.tile.s32 @!p0 $0x1;
	_ =	shalt  }
.Lfunc_end2:
_tile_overlayer_lowered:
.L_overlay_start_2:
0x1db: {  	(tag) =	ssettag $0x2  }
0x1dc: {  	s0 =	rddreg [dreg:$0x0];
	s2 =	stileid.u32  }
0x1dd: {  	s1 =	rddreg [dreg:$0x1];
	p0 =	sne.s32 s2, $0x0  }
0x1de: {  	s3 =	rddreg [dreg:$0x2];
	[bflag:$0x3] =	sbarrier.arrive $0xFFFF;
	s2 =	simm.s32 @!p0 $0x1C01  }
0x1df: {  	[timem:s3], [sflag:s2] =	dma.local @!p0 [hbm:s0], s1  }
0x1e0: {  	s0 =	simm.s32 @!p0 $0x1  }
0x1e1: {  	_ =	swait.ge @!p0 [sflag:s0], s1  }
0x1e2: {  	s1 =	ssub.s32 @!p0 $0x0, s1;
	[sflag:s0] =	ssyncset.done @!p0 $0x0  }
0x1e3: {  	[sflag:s0] =	ssyncadd.s32 @!p0 s1  }
0x1e4: {  	[bflag:$0x3] =	sbarrier.arrive $0xFFFF  }
0x1e5: {  	_ =	shalt  }

</sc_bundles>
